<compile_context>
chip_gen: v7x
topology: tpu7x:2x2x1
jax: 0.10.2.dev20260603
libtpu: 0.0.44.dev20260713+nightly
codegen_flags: <defaults>
</compile_context>

<pallas_src>
import jax
import jax.numpy as jnp
from jax.experimental import pallas as pl
from jax.experimental.pallas import tpu as pltpu

_CHUNK = 4096
_LIN_BLOCK = 2000


def _edge_kernel(src_ref, dst_ref, rel_ref, h_ref, rin_ref, out_ref):
    @pl.when(pl.program_id(0) == 0)
    def _init():
        out_ref[...] = jnp.zeros_like(out_ref)

    def body(e, carry):
        s = src_ref[e]
        d = dst_ref[e]
        r = rel_ref[e]
        msg = h_ref[pl.ds(s, 1), :] * rin_ref[pl.ds(r, 1), :]
        out_ref[pl.ds(d, 1), :] = out_ref[pl.ds(d, 1), :] + msg
        return carry

    jax.lax.fori_loop(0, src_ref.shape[0], body, 0)


def _rspmm_b(h2, rin2, src, dst, rel):
    nchunk = src.shape[0] // _CHUNK
    return pl.pallas_call(
        _edge_kernel,
        grid=(nchunk,),
        in_specs=[
            pl.BlockSpec((_CHUNK,), lambda i: (i,), memory_space=pltpu.SMEM),
            pl.BlockSpec((_CHUNK,), lambda i: (i,), memory_space=pltpu.SMEM),
            pl.BlockSpec((_CHUNK,), lambda i: (i,), memory_space=pltpu.SMEM),
            pl.BlockSpec(h2.shape, lambda i: (0, 0)),
            pl.BlockSpec(rin2.shape, lambda i: (0, 0)),
        ],
        out_specs=pl.BlockSpec(h2.shape, lambda i: (0, 0)),
        out_shape=jax.ShapeDtypeStruct(h2.shape, jnp.float32),
    )(src, dst, rel, h2, rin2)


def _lin_kernel(x_ref, w_ref, b_ref, o_ref):
    y = jnp.dot(x_ref[...], w_ref[...], preferred_element_type=jnp.float32)
    o_ref[...] = jnp.maximum(y + b_ref[...], 0.0)


def _lin_relu(x, w, bias):
    m, d = x.shape
    return pl.pallas_call(
        _lin_kernel,
        grid=(m // _LIN_BLOCK,),
        in_specs=[
            pl.BlockSpec((_LIN_BLOCK, d), lambda i: (i, 0)),
            pl.BlockSpec((d, d), lambda i: (0, 0)),
            pl.BlockSpec((1, d), lambda i: (0, 0)),
        ],
        out_specs=pl.BlockSpec((_LIN_BLOCK, d), lambda i: (i, 0)),
        out_shape=jax.ShapeDtypeStruct((m, d), jnp.float32),
    )(x, w, bias.reshape(1, d))


def kernel(head, tail, edge_src, edge_dst, edge_rel, ent_kg, rel_kg0, rel_kg1,
           lin_w0, lin_b0, lin_w1, lin_b1, rel_lin_w0, rel_lin_b0, rel_lin_w1,
           rel_lin_b1, attn_w0, attn_b0, attn_w1, attn_b1):
    n_ent, d = ent_kg.shape
    bsz = head.shape[0]
    nrel = rel_kg0.shape[0]

    head_embed = ent_kg[head]
    tail_embed = ent_kg[tail]
    ht = jnp.concatenate([head_embed, tail_embed], axis=-1)

    rel_kgs = (rel_kg0, rel_kg1)
    lin_ws = (lin_w0, lin_w1)
    lin_bs = (lin_b0, lin_b1)
    rel_lins = ((rel_lin_w0, rel_lin_b0), (rel_lin_w1, rel_lin_b1))
    attns = ((attn_w0, attn_b0), (attn_w1, attn_b1))

    e = edge_src.shape[0]
    pad = (-e) % _CHUNK
    src = jnp.concatenate(
        [edge_src.astype(jnp.int32), jnp.zeros((pad,), jnp.int32)])
    dst = jnp.concatenate(
        [edge_dst.astype(jnp.int32), jnp.zeros((pad,), jnp.int32)])
    rel = jnp.concatenate(
        [edge_rel.astype(jnp.int32), jnp.full((pad,), nrel, jnp.int32)])

    def propagate(init_idx, init_embed):
        hid = jnp.zeros((n_ent, bsz, d), jnp.float32)
        hid = hid.at[init_idx, jnp.arange(bsz)].set(init_embed)
        for l in range(2):
            rw = jax.nn.sigmoid(
                jax.nn.relu(ht @ rel_lins[l][0] + rel_lins[l][1])
                @ attns[l][0] + attns[l][1])
            rin = jnp.transpose(rw[:, :, None] * rel_kgs[l][None], (1, 0, 2))
            rin = jnp.concatenate(
                [rin, jnp.zeros((1, bsz, d), jnp.float32)], axis=0)
            aggs = [_rspmm_b(hid[:, b, :], rin[:, b, :], src, dst, rel)
                    for b in range(bsz)]
            agg = jnp.stack(aggs, axis=1)
            hid = _lin_relu(agg.reshape(n_ent * bsz, d),
                            lin_ws[l], lin_bs[l]).reshape(n_ent, bsz, d)
        return hid

    tail_hid = propagate(head, head_embed)[tail, jnp.arange(bsz)]
    head_hid = propagate(tail, tail_embed)[head, jnp.arange(bsz)]
    return jnp.concatenate([head_embed, tail_embed, head_hid, tail_hid],
                           axis=1)

# --- scband reference (transcript-rebuilt; emitter-appended) ---
"""Pipeline reference for scband-emer-gnn-71528385347856 (READ-ONLY COPY).

The authoritative reference and input builder live on the scoring server;
editing this copy changes nothing except your own understanding.
"""

import jax, jax.numpy as jnp
import numpy as np

N_ENT = 10000
E = 160000
B = 8
D = 128
L = 2
NREL = 221  # 2 * (max_relation_id=109 + 1) + 1
EVAL_REL = 86


def setup_inputs(seed: int = 0) -> dict:
    key = jax.random.key(seed)
    ks = jax.random.split(key, 32)
    s = 0.05
    inp = {}
    inp["head"] = jax.random.randint(ks[0], (B,), 0, N_ENT)
    inp["tail"] = jax.random.randint(ks[1], (B,), 0, N_ENT)
    inp["edge_src"] = jax.random.randint(ks[2], (E,), 0, N_ENT)
    inp["edge_dst"] = jax.random.randint(ks[3], (E,), 0, N_ENT)
    inp["edge_rel"] = jax.random.randint(ks[4], (E,), 0, NREL)
    # learned parameters (feat='E' branch)
    inp["ent_kg"] = jax.random.normal(ks[5], (N_ENT, D), dtype=jnp.float32) * s
    inp["rel_kg0"] = jax.random.normal(ks[6], (NREL, D), dtype=jnp.float32) * s
    inp["rel_kg1"] = jax.random.normal(ks[7], (NREL, D), dtype=jnp.float32) * s
    inp["lin_w0"] = jax.random.normal(ks[8], (D, D), dtype=jnp.float32) * s
    inp["lin_b0"] = jnp.zeros((D,), dtype=jnp.float32)
    inp["lin_w1"] = jax.random.normal(ks[9], (D, D), dtype=jnp.float32) * s
    inp["lin_b1"] = jnp.zeros((D,), dtype=jnp.float32)
    inp["rel_lin_w0"] = jax.random.normal(ks[10], (2 * D, 5), dtype=jnp.float32) * s
    inp["rel_lin_b0"] = jnp.zeros((5,), dtype=jnp.float32)
    inp["rel_lin_w1"] = jax.random.normal(ks[11], (2 * D, 5), dtype=jnp.float32) * s
    inp["rel_lin_b1"] = jnp.zeros((5,), dtype=jnp.float32)
    inp["attn_w0"] = jax.random.normal(ks[12], (5, NREL), dtype=jnp.float32) * s
    inp["attn_b0"] = jnp.zeros((NREL,), dtype=jnp.float32)
    inp["attn_w1"] = jax.random.normal(ks[13], (5, NREL), dtype=jnp.float32) * s
    inp["attn_b1"] = jnp.zeros((NREL,), dtype=jnp.float32)
    return inp


def _forward(head, tail, edge_src, edge_dst, edge_rel, ent_kg, rel_kgs, lin_ws, lin_bs, rel_lin_ws, rel_lin_bs, attn_ws, attn_bs):
    head_embed = ent_kg[head]  # [B, D]
    tail_embed = ent_kg[tail]  # [B, D]
    ht = jnp.concatenate([head_embed, tail_embed], axis=-1)  # [B, 2D]

    def msg_agg(h_b, rin_b):
        # generalized_rspmm with sum='add', mul='mul' for one batch column:
        # out[d] = sum_{edges (s,d,r)} rin_b[r] * h_b[s]
        msg = h_b[edge_src] * rin_b[edge_rel]  # [E, D]
        return jax.ops.segment_sum(msg, edge_dst, num_segments=N_ENT)

    msg_agg = jax.checkpoint(msg_agg)

    def propagate(init_idx, init_embed):
        hiddens = jnp.zeros((N_ENT, B, D), dtype=jnp.float32)
        hiddens = hiddens.at[init_idx, jnp.arange(B)].set(init_embed)
        for l in range(L):
            rel_w = jax.nn.sigmoid(jax.nn.relu(ht @ rel_lin_ws[l] + rel_lin_bs[l]) @ attn_ws[l] + attn_bs[l])  # [B, NREL]
            rel_in = rel_w[:, :, None] * rel_kgs[l][None, :, :]  # [B, NREL, D]
            rel_in = jnp.transpose(rel_in, (1, 0, 2))  # [NREL, B, D]
            agg = jnp.stack([msg_agg(hiddens[:, b, :], rel_in[:, b, :]) for b in range(B)], axis=1)  # [N_ENT, B, D]
            hiddens = jax.nn.relu(agg @ lin_ws[l] + lin_bs[l])
        return hiddens

    tail_hid = propagate(head, head_embed)[tail, jnp.arange(B)]  # [B, D]
    head_hid = propagate(tail, tail_embed)[head, jnp.arange(B)]  # [B, D]
    # feat='E' branch: concat head/tail embeds with propagated hiddens
    return jnp.concatenate([head_embed, tail_embed, head_hid, tail_hid], axis=1)  # [B, 4D]


def reference(head, tail, edge_src, edge_dst, edge_rel, ent_kg, rel_kg0, rel_kg1, lin_w0, lin_b0, lin_w1, lin_b1, rel_lin_w0, rel_lin_b0, rel_lin_w1, rel_lin_b1, attn_w0, attn_b0, attn_w1, attn_b1):
    return _forward(head, tail, edge_src, edge_dst, edge_rel, ent_kg,
                    (rel_kg0, rel_kg1), (lin_w0, lin_w1), (lin_b0, lin_b1),
                    (rel_lin_w0, rel_lin_w1), (rel_lin_b0, rel_lin_b1),
                    (attn_w0, attn_w1), (attn_b0, attn_b1))

if __name__ == "__main__":
    import jax
    _d = setup_inputs()
    print(jax.jit(kernel)(*tuple(_d.values())))

</pallas_src>

<mosaic_0001>
module attributes {stable_mosaic.version = 14 : i64} {
  func.func @_edge_kernel(%arg0: i32, %arg1: memref<4096xi32, #tpu.memory_space<smem>>, %arg2: memref<4096xi32, #tpu.memory_space<smem>>, %arg3: memref<4096xi32, #tpu.memory_space<smem>>, %arg4: memref<10000x128xf32, #tpu.memory_space<vmem>>, %arg5: memref<222x128xf32, #tpu.memory_space<vmem>>, %arg6: memref<10000x128xf32, #tpu.memory_space<vmem>>) attributes {dimension_semantics = [#tpu.dimension_semantics<arbitrary>], iteration_bounds = array<i64: 40>, scalar_prefetch = 0 : i64, scratch_operands = 0 : i64, tpu.core_type = #tpu.core_type<tc>, window_params = [{transform_indices = @transform_0, window_bounds = array<i64: 4096>}, {transform_indices = @transform_1, window_bounds = array<i64: 4096>}, {transform_indices = @transform_2, window_bounds = array<i64: 4096>}, {pipeline_mode = #tpu.pipeline_mode<synchronous>, transform_indices = @transform_3, window_bounds = array<i64: 10000, 128>}, {pipeline_mode = #tpu.pipeline_mode<synchronous>, transform_indices = @transform_4, window_bounds = array<i64: 222, 128>}, {pipeline_mode = #tpu.pipeline_mode<synchronous>, transform_indices = @transform_5, window_bounds = array<i64: 10000, 128>}]} {
    %eq3A = arith.constant 0 : i32
    %eq3A_0 = arith.cmpi eq, %arg0, %eq3A : i32
    %convert_element_type3A = arith.extui %eq3A_0 : i1 to i32
    %cond3A = arith.constant 0 : i32
    %cond3A_1 = arith.cmpi ne, %convert_element_type3A, %cond3A : i32
    scf.if %cond3A_1 {
      %broadcast_in_dim3A = arith.constant 0.000000e+00 : f32
      %broadcast_in_dim3A_6 = vector.broadcast %broadcast_in_dim3A : f32 to vector<10000x128xf32>
      %swap3A = arith.constant 0 : index
      %swap3A_7 = arith.constant 0 : index
      %swap3A_8 = vector.load %arg6[%swap3A, %swap3A_7] : memref<10000x128xf32, #tpu.memory_space<vmem>>, vector<10000x128xf32>
      tpu.vector_store %arg6[%swap3A, %swap3A_7], %broadcast_in_dim3A_6 {strides = array<i32>} : memref<10000x128xf32, #tpu.memory_space<vmem>>, vector<10000x128xf32>,
    } else {
    }
    %scan3A = arith.constant 0 : i32
    %scan3A_2 = arith.constant 4096 : i32
    %scan3A_3 = arith.addi %scan3A, %scan3A_2 : i32
    %scan3A_4 = arith.constant 1 : i32
    scf.for %scan3A_6 = %scan3A to %scan3A_3 step %scan3A_4  : i32 {
      %get3A = arith.index_cast %scan3A_6 : i32 to index
      %get3A_7 = memref.load %arg1[%get3A] : memref<4096xi32, #tpu.memory_space<smem>>
      %get3A_8 = arith.index_cast %scan3A_6 : i32 to index
      %get3A_9 = memref.load %arg2[%get3A_8] : memref<4096xi32, #tpu.memory_space<smem>>
      %get3A_10 = arith.index_cast %scan3A_6 : i32 to index
      %get3A_11 = memref.load %arg3[%get3A_10] : memref<4096xi32, #tpu.memory_space<smem>>
      %get3A_12 = arith.index_cast %get3A_7 : i32 to index
      %get3A_13 = arith.constant 0 : index
      %get3A_14 = vector.load %arg4[%get3A_12, %get3A_13] : memref<10000x128xf32, #tpu.memory_space<vmem>>, vector<1x128xf32>
      %get3A_15 = arith.index_cast %get3A_11 : i32 to index
      %get3A_16 = arith.constant 0 : index
      %get3A_17 = vector.load %arg5[%get3A_15, %get3A_16] : memref<222x128xf32, #tpu.memory_space<vmem>>, vector<1x128xf32>
      %mul3A = arith.mulf %get3A_14, %get3A_17 : vector<1x128xf32>
      %get3A_18 = arith.index_cast %get3A_9 : i32 to index
      %get3A_19 = arith.constant 0 : index
      %get3A_20 = vector.load %arg6[%get3A_18, %get3A_19] : memref<10000x128xf32, #tpu.memory_space<vmem>>, vector<1x128xf32>
      %add3A = arith.addf %get3A_20, %mul3A : vector<1x128xf32>
      %swap3A = arith.index_cast %get3A_9 : i32 to index
      %swap3A_21 = arith.constant 0 : index
      %swap3A_22 = vector.load %arg6[%swap3A, %swap3A_21] : memref<10000x128xf32, #tpu.memory_space<vmem>>, vector<1x128xf32>
      tpu.vector_store %arg6[%swap3A, %swap3A_21], %add3A {strides = array<i32>} : memref<10000x128xf32, #tpu.memory_space<vmem>>, vector<1x128xf32>,
    }
    %scan3A_5 = arith.constant 4096 : i32
    return
  }
  func.func @transform_0(%arg0: i32) -> i32 {
    %c0_i32 = arith.constant 0 : i32
    return %arg0 : i32
  }
  func.func @transform_1(%arg0: i32) -> i32 {
    %c0_i32 = arith.constant 0 : i32
    return %arg0 : i32
  }
  func.func @transform_2(%arg0: i32) -> i32 {
    %c0_i32 = arith.constant 0 : i32
    return %arg0 : i32
  }
  func.func @transform_3(%arg0: i32) -> (i32, i32) {
    %c0_i32 = arith.constant 0 : i32
    %c0_i32_0 = arith.constant 0 : i32
    %c0_i32_1 = arith.constant 0 : i32
    return %c0_i32, %c0_i32_0 : i32, i32
  }
  func.func @transform_4(%arg0: i32) -> (i32, i32) {
    %c0_i32 = arith.constant 0 : i32
    %c0_i32_0 = arith.constant 0 : i32
    %c0_i32_1 = arith.constant 0 : i32
    return %c0_i32, %c0_i32_0 : i32, i32
  }
  func.func @transform_5(%arg0: i32) -> (i32, i32) {
    %c0_i32 = arith.constant 0 : i32
    %c0_i32_0 = arith.constant 0 : i32
    %c0_i32_1 = arith.constant 0 : i32
    return %c0_i32, %c0_i32_0 : i32, i32
  }
}

module attributes {stable_mosaic.version = 14 : i64} {
  func.func @_edge_kernel(%arg0: i32, %arg1: memref<4096xi32, #tpu.memory_space<smem>>, %arg2: memref<4096xi32, #tpu.memory_space<smem>>, %arg3: memref<4096xi32, #tpu.memory_space<smem>>, %arg4: memref<10000x128xf32, #tpu.memory_space<vmem>>, %arg5: memref<222x128xf32, #tpu.memory_space<vmem>>, %arg6: memref<10000x128xf32, #tpu.memory_space<vmem>>) attributes {dimension_semantics = [#tpu.dimension_semantics<arbitrary>], iteration_bounds = array<i64: 40>, scalar_prefetch = 0 : i64, scratch_operands = 0 : i64, tpu.core_type = #tpu.core_type<tc>, window_params = [{transform_indices = @transform_0, window_bounds = array<i64: 4096>}, {transform_indices = @transform_1, window_bounds = array<i64: 4096>}, {transform_indices = @transform_2, window_bounds = array<i64: 4096>}, {pipeline_mode = #tpu.pipeline_mode<synchronous>, transform_indices = @transform_3, window_bounds = array<i64: 10000, 128>}, {pipeline_mode = #tpu.pipeline_mode<synchronous>, transform_indices = @transform_4, window_bounds = array<i64: 222, 128>}, {pipeline_mode = #tpu.pipeline_mode<synchronous>, transform_indices = @transform_5, window_bounds = array<i64: 10000, 128>}]} {
    %eq3A = arith.constant 0 : i32
    %eq3A_0 = arith.cmpi eq, %arg0, %eq3A : i32
    %convert_element_type3A = arith.extui %eq3A_0 : i1 to i32
    %cond3A = arith.constant 0 : i32
    %cond3A_1 = arith.cmpi ne, %convert_element_type3A, %cond3A : i32
    scf.if %cond3A_1 {
      %broadcast_in_dim3A = arith.constant 0.000000e+00 : f32
      %broadcast_in_dim3A_6 = vector.broadcast %broadcast_in_dim3A : f32 to vector<10000x128xf32>
      %swap3A = arith.constant 0 : index
      %swap3A_7 = arith.constant 0 : index
      %swap3A_8 = vector.load %arg6[%swap3A, %swap3A_7] : memref<10000x128xf32, #tpu.memory_space<vmem>>, vector<10000x128xf32>
      tpu.vector_store %arg6[%swap3A, %swap3A_7], %broadcast_in_dim3A_6 {strides = array<i32>} : memref<10000x128xf32, #tpu.memory_space<vmem>>, vector<10000x128xf32>,
    } else {
    }
    %scan3A = arith.constant 0 : i32
    %scan3A_2 = arith.constant 4096 : i32
    %scan3A_3 = arith.addi %scan3A, %scan3A_2 : i32
    %scan3A_4 = arith.constant 1 : i32
    scf.for %scan3A_6 = %scan3A to %scan3A_3 step %scan3A_4  : i32 {
      %get3A = arith.index_cast %scan3A_6 : i32 to index
      %get3A_7 = memref.load %arg1[%get3A] : memref<4096xi32, #tpu.memory_space<smem>>
      %get3A_8 = arith.index_cast %scan3A_6 : i32 to index
      %get3A_9 = memref.load %arg2[%get3A_8] : memref<4096xi32, #tpu.memory_space<smem>>
      %get3A_10 = arith.index_cast %scan3A_6 : i32 to index
      %get3A_11 = memref.load %arg3[%get3A_10] : memref<4096xi32, #tpu.memory_space<smem>>
      %get3A_12 = arith.index_cast %get3A_7 : i32 to index
      %get3A_13 = arith.constant 0 : index
      %get3A_14 = vector.load %arg4[%get3A_12, %get3A_13] : memref<10000x128xf32, #tpu.memory_space<vmem>>, vector<1x128xf32>
      %get3A_15 = arith.index_cast %get3A_11 : i32 to index
      %get3A_16 = arith.constant 0 : index
      %get3A_17 = vector.load %arg5[%get3A_15, %get3A_16] : memref<222x128xf32, #tpu.memory_space<vmem>>, vector<1x128xf32>
      %mul3A = arith.mulf %get3A_14, %get3A_17 : vector<1x128xf32>
      %get3A_18 = arith.index_cast %get3A_9 : i32 to index
      %get3A_19 = arith.constant 0 : index
      %get3A_20 = vector.load %arg6[%get3A_18, %get3A_19] : memref<10000x128xf32, #tpu.memory_space<vmem>>, vector<1x128xf32>
      %add3A = arith.addf %get3A_20, %mul3A : vector<1x128xf32>
      %swap3A = arith.index_cast %get3A_9 : i32 to index
      %swap3A_21 = arith.constant 0 : index
      %swap3A_22 = vector.load %arg6[%swap3A, %swap3A_21] : memref<10000x128xf32, #tpu.memory_space<vmem>>, vector<1x128xf32>
      tpu.vector_store %arg6[%swap3A, %swap3A_21], %add3A {strides = array<i32>} : memref<10000x128xf32, #tpu.memory_space<vmem>>, vector<1x128xf32>,
    }
    %scan3A_5 = arith.constant 4096 : i32
    return
  }
  func.func @transform_0(%arg0: i32) -> i32 {
    %c0_i32 = arith.constant 0 : i32
    return %arg0 : i32
  }
  func.func @transform_1(%arg0: i32) -> i32 {
    %c0_i32 = arith.constant 0 : i32
    return %arg0 : i32
  }
  func.func @transform_2(%arg0: i32) -> i32 {
    %c0_i32 = arith.constant 0 : i32
    return %arg0 : i32
  }
  func.func @transform_3(%arg0: i32) -> (i32, i32) {
    %c0_i32 = arith.constant 0 : i32
    %c0_i32_0 = arith.constant 0 : i32
    %c0_i32_1 = arith.constant 0 : i32
    return %c0_i32, %c0_i32_0 : i32, i32
  }
  func.func @transform_4(%arg0: i32) -> (i32, i32) {
    %c0_i32 = arith.constant 0 : i32
    %c0_i32_0 = arith.constant 0 : i32
    %c0_i32_1 = arith.constant 0 : i32
    return %c0_i32, %c0_i32_0 : i32, i32
  }
  func.func @transform_5(%arg0: i32) -> (i32, i32) {
    %c0_i32 = arith.constant 0 : i32
    %c0_i32_0 = arith.constant 0 : i32
    %c0_i32_1 = arith.constant 0 : i32
    return %c0_i32, %c0_i32_0 : i32, i32
  }
}

module attributes {stable_mosaic.version = 14 : i64} {
  func.func @_edge_kernel(%arg0: i32, %arg1: memref<4096xi32, #tpu.memory_space<smem>>, %arg2: memref<4096xi32, #tpu.memory_space<smem>>, %arg3: memref<4096xi32, #tpu.memory_space<smem>>, %arg4: memref<10000x128xf32, #tpu.memory_space<vmem>>, %arg5: memref<222x128xf32, #tpu.memory_space<vmem>>, %arg6: memref<10000x128xf32, #tpu.memory_space<vmem>>) attributes {dimension_semantics = [#tpu.dimension_semantics<arbitrary>], iteration_bounds = array<i64: 40>, scalar_prefetch = 0 : i64, scratch_operands = 0 : i64, tpu.core_type = #tpu.core_type<tc>, window_params = [{transform_indices = @transform_0, window_bounds = array<i64: 4096>}, {transform_indices = @transform_1, window_bounds = array<i64: 4096>}, {transform_indices = @transform_2, window_bounds = array<i64: 4096>}, {pipeline_mode = #tpu.pipeline_mode<synchronous>, transform_indices = @transform_3, window_bounds = array<i64: 10000, 128>}, {pipeline_mode = #tpu.pipeline_mode<synchronous>, transform_indices = @transform_4, window_bounds = array<i64: 222, 128>}, {pipeline_mode = #tpu.pipeline_mode<synchronous>, transform_indices = @transform_5, window_bounds = array<i64: 10000, 128>}]} {
    %eq3A = arith.constant 0 : i32
    %eq3A_0 = arith.cmpi eq, %arg0, %eq3A : i32
    %convert_element_type3A = arith.extui %eq3A_0 : i1 to i32
    %cond3A = arith.constant 0 : i32
    %cond3A_1 = arith.cmpi ne, %convert_element_type3A, %cond3A : i32
    scf.if %cond3A_1 {
      %broadcast_in_dim3A = arith.constant 0.000000e+00 : f32
      %broadcast_in_dim3A_6 = vector.broadcast %broadcast_in_dim3A : f32 to vector<10000x128xf32>
      %swap3A = arith.constant 0 : index
      %swap3A_7 = arith.constant 0 : index
      %swap3A_8 = vector.load %arg6[%swap3A, %swap3A_7] : memref<10000x128xf32, #tpu.memory_space<vmem>>, vector<10000x128xf32>
      tpu.vector_store %arg6[%swap3A, %swap3A_7], %broadcast_in_dim3A_6 {strides = array<i32>} : memref<10000x128xf32, #tpu.memory_space<vmem>>, vector<10000x128xf32>,
    } else {
    }
    %scan3A = arith.constant 0 : i32
    %scan3A_2 = arith.constant 4096 : i32
    %scan3A_3 = arith.addi %scan3A, %scan3A_2 : i32
    %scan3A_4 = arith.constant 1 : i32
    scf.for %scan3A_6 = %scan3A to %scan3A_3 step %scan3A_4  : i32 {
      %get3A = arith.index_cast %scan3A_6 : i32 to index
      %get3A_7 = memref.load %arg1[%get3A] : memref<4096xi32, #tpu.memory_space<smem>>
      %get3A_8 = arith.index_cast %scan3A_6 : i32 to index
      %get3A_9 = memref.load %arg2[%get3A_8] : memref<4096xi32, #tpu.memory_space<smem>>
      %get3A_10 = arith.index_cast %scan3A_6 : i32 to index
      %get3A_11 = memref.load %arg3[%get3A_10] : memref<4096xi32, #tpu.memory_space<smem>>
      %get3A_12 = arith.index_cast %get3A_7 : i32 to index
      %get3A_13 = arith.constant 0 : index
      %get3A_14 = vector.load %arg4[%get3A_12, %get3A_13] : memref<10000x128xf32, #tpu.memory_space<vmem>>, vector<1x128xf32>
      %get3A_15 = arith.index_cast %get3A_11 : i32 to index
      %get3A_16 = arith.constant 0 : index
      %get3A_17 = vector.load %arg5[%get3A_15, %get3A_16] : memref<222x128xf32, #tpu.memory_space<vmem>>, vector<1x128xf32>
      %mul3A = arith.mulf %get3A_14, %get3A_17 : vector<1x128xf32>
      %get3A_18 = arith.index_cast %get3A_9 : i32 to index
      %get3A_19 = arith.constant 0 : index
      %get3A_20 = vector.load %arg6[%get3A_18, %get3A_19] : memref<10000x128xf32, #tpu.memory_space<vmem>>, vector<1x128xf32>
      %add3A = arith.addf %get3A_20, %mul3A : vector<1x128xf32>
      %swap3A = arith.index_cast %get3A_9 : i32 to index
      %swap3A_21 = arith.constant 0 : index
      %swap3A_22 = vector.load %arg6[%swap3A, %swap3A_21] : memref<10000x128xf32, #tpu.memory_space<vmem>>, vector<1x128xf32>
      tpu.vector_store %arg6[%swap3A, %swap3A_21], %add3A {strides = array<i32>} : memref<10000x128xf32, #tpu.memory_space<vmem>>, vector<1x128xf32>,
    }
    %scan3A_5 = arith.constant 4096 : i32
    return
  }
  func.func @transform_0(%arg0: i32) -> i32 {
    %c0_i32 = arith.constant 0 : i32
    return %arg0 : i32
  }
  func.func @transform_1(%arg0: i32) -> i32 {
    %c0_i32 = arith.constant 0 : i32
    return %arg0 : i32
  }
  func.func @transform_2(%arg0: i32) -> i32 {
    %c0_i32 = arith.constant 0 : i32
    return %arg0 : i32
  }
  func.func @transform_3(%arg0: i32) -> (i32, i32) {
    %c0_i32 = arith.constant 0 : i32
    %c0_i32_0 = arith.constant 0 : i32
    %c0_i32_1 = arith.constant 0 : i32
    return %c0_i32, %c0_i32_0 : i32, i32
  }
  func.func @transform_4(%arg0: i32) -> (i32, i32) {
    %c0_i32 = arith.constant 0 : i32
    %c0_i32_0 = arith.constant 0 : i32
    %c0_i32_1 = arith.constant 0 : i32
    return %c0_i32, %c0_i32_0 : i32, i32
  }
  func.func @transform_5(%arg0: i32) -> (i32, i32) {
    %c0_i32 = arith.constant 0 : i32
    %c0_i32_0 = arith.constant 0 : i32
    %c0_i32_1 = arith.constant 0 : i32
    return %c0_i32, %c0_i32_0 : i32, i32
  }
}

module attributes {stable_mosaic.version = 14 : i64} {
  func.func @_edge_kernel(%arg0: i32, %arg1: memref<4096xi32, #tpu.memory_space<smem>>, %arg2: memref<4096xi32, #tpu.memory_space<smem>>, %arg3: memref<4096xi32, #tpu.memory_space<smem>>, %arg4: memref<10000x128xf32, #tpu.memory_space<vmem>>, %arg5: memref<222x128xf32, #tpu.memory_space<vmem>>, %arg6: memref<10000x128xf32, #tpu.memory_space<vmem>>) attributes {dimension_semantics = [#tpu.dimension_semantics<arbitrary>], iteration_bounds = array<i64: 40>, scalar_prefetch = 0 : i64, scratch_operands = 0 : i64, tpu.core_type = #tpu.core_type<tc>, window_params = [{transform_indices = @transform_0, window_bounds = array<i64: 4096>}, {transform_indices = @transform_1, window_bounds = array<i64: 4096>}, {transform_indices = @transform_2, window_bounds = array<i64: 4096>}, {pipeline_mode = #tpu.pipeline_mode<synchronous>, transform_indices = @transform_3, window_bounds = array<i64: 10000, 128>}, {pipeline_mode = #tpu.pipeline_mode<synchronous>, transform_indices = @transform_4, window_bounds = array<i64: 222, 128>}, {pipeline_mode = #tpu.pipeline_mode<synchronous>, transform_indices = @transform_5, window_bounds = array<i64: 10000, 128>}]} {
    %eq3A = arith.constant 0 : i32
    %eq3A_0 = arith.cmpi eq, %arg0, %eq3A : i32
    %convert_element_type3A = arith.extui %eq3A_0 : i1 to i32
    %cond3A = arith.constant 0 : i32
    %cond3A_1 = arith.cmpi ne, %convert_element_type3A, %cond3A : i32
    scf.if %cond3A_1 {
      %broadcast_in_dim3A = arith.constant 0.000000e+00 : f32
      %broadcast_in_dim3A_6 = vector.broadcast %broadcast_in_dim3A : f32 to vector<10000x128xf32>
      %swap3A = arith.constant 0 : index
      %swap3A_7 = arith.constant 0 : index
      %swap3A_8 = vector.load %arg6[%swap3A, %swap3A_7] : memref<10000x128xf32, #tpu.memory_space<vmem>>, vector<10000x128xf32>
      tpu.vector_store %arg6[%swap3A, %swap3A_7], %broadcast_in_dim3A_6 {strides = array<i32>} : memref<10000x128xf32, #tpu.memory_space<vmem>>, vector<10000x128xf32>,
    } else {
    }
    %scan3A = arith.constant 0 : i32
    %scan3A_2 = arith.constant 4096 : i32
    %scan3A_3 = arith.addi %scan3A, %scan3A_2 : i32
    %scan3A_4 = arith.constant 1 : i32
    scf.for %scan3A_6 = %scan3A to %scan3A_3 step %scan3A_4  : i32 {
      %get3A = arith.index_cast %scan3A_6 : i32 to index
      %get3A_7 = memref.load %arg1[%get3A] : memref<4096xi32, #tpu.memory_space<smem>>
      %get3A_8 = arith.index_cast %scan3A_6 : i32 to index
      %get3A_9 = memref.load %arg2[%get3A_8] : memref<4096xi32, #tpu.memory_space<smem>>
      %get3A_10 = arith.index_cast %scan3A_6 : i32 to index
      %get3A_11 = memref.load %arg3[%get3A_10] : memref<4096xi32, #tpu.memory_space<smem>>
      %get3A_12 = arith.index_cast %get3A_7 : i32 to index
      %get3A_13 = arith.constant 0 : index
      %get3A_14 = vector.load %arg4[%get3A_12, %get3A_13] : memref<10000x128xf32, #tpu.memory_space<vmem>>, vector<1x128xf32>
      %get3A_15 = arith.index_cast %get3A_11 : i32 to index
      %get3A_16 = arith.constant 0 : index
      %get3A_17 = vector.load %arg5[%get3A_15, %get3A_16] : memref<222x128xf32, #tpu.memory_space<vmem>>, vector<1x128xf32>
      %mul3A = arith.mulf %get3A_14, %get3A_17 : vector<1x128xf32>
      %get3A_18 = arith.index_cast %get3A_9 : i32 to index
      %get3A_19 = arith.constant 0 : index
      %get3A_20 = vector.load %arg6[%get3A_18, %get3A_19] : memref<10000x128xf32, #tpu.memory_space<vmem>>, vector<1x128xf32>
      %add3A = arith.addf %get3A_20, %mul3A : vector<1x128xf32>
      %swap3A = arith.index_cast %get3A_9 : i32 to index
      %swap3A_21 = arith.constant 0 : index
      %swap3A_22 = vector.load %arg6[%swap3A, %swap3A_21] : memref<10000x128xf32, #tpu.memory_space<vmem>>, vector<1x128xf32>
      tpu.vector_store %arg6[%swap3A, %swap3A_21], %add3A {strides = array<i32>} : memref<10000x128xf32, #tpu.memory_space<vmem>>, vector<1x128xf32>,
    }
    %scan3A_5 = arith.constant 4096 : i32
    return
  }
  func.func @transform_0(%arg0: i32) -> i32 {
    %c0_i32 = arith.constant 0 : i32
    return %arg0 : i32
  }
  func.func @transform_1(%arg0: i32) -> i32 {
    %c0_i32 = arith.constant 0 : i32
    return %arg0 : i32
  }
  func.func @transform_2(%arg0: i32) -> i32 {
    %c0_i32 = arith.constant 0 : i32
    return %arg0 : i32
  }
  func.func @transform_3(%arg0: i32) -> (i32, i32) {
    %c0_i32 = arith.constant 0 : i32
    %c0_i32_0 = arith.constant 0 : i32
    %c0_i32_1 = arith.constant 0 : i32
    return %c0_i32, %c0_i32_0 : i32, i32
  }
  func.func @transform_4(%arg0: i32) -> (i32, i32) {
    %c0_i32 = arith.constant 0 : i32
    %c0_i32_0 = arith.constant 0 : i32
    %c0_i32_1 = arith.constant 0 : i32
    return %c0_i32, %c0_i32_0 : i32, i32
  }
  func.func @transform_5(%arg0: i32) -> (i32, i32) {
    %c0_i32 = arith.constant 0 : i32
    %c0_i32_0 = arith.constant 0 : i32
    %c0_i32_1 = arith.constant 0 : i32
    return %c0_i32, %c0_i32_0 : i32, i32
  }
}

module attributes {stable_mosaic.version = 14 : i64} {
  func.func @_edge_kernel(%arg0: i32, %arg1: memref<4096xi32, #tpu.memory_space<smem>>, %arg2: memref<4096xi32, #tpu.memory_space<smem>>, %arg3: memref<4096xi32, #tpu.memory_space<smem>>, %arg4: memref<10000x128xf32, #tpu.memory_space<vmem>>, %arg5: memref<222x128xf32, #tpu.memory_space<vmem>>, %arg6: memref<10000x128xf32, #tpu.memory_space<vmem>>) attributes {dimension_semantics = [#tpu.dimension_semantics<arbitrary>], iteration_bounds = array<i64: 40>, scalar_prefetch = 0 : i64, scratch_operands = 0 : i64, tpu.core_type = #tpu.core_type<tc>, window_params = [{transform_indices = @transform_0, window_bounds = array<i64: 4096>}, {transform_indices = @transform_1, window_bounds = array<i64: 4096>}, {transform_indices = @transform_2, window_bounds = array<i64: 4096>}, {pipeline_mode = #tpu.pipeline_mode<synchronous>, transform_indices = @transform_3, window_bounds = array<i64: 10000, 128>}, {pipeline_mode = #tpu.pipeline_mode<synchronous>, transform_indices = @transform_4, window_bounds = array<i64: 222, 128>}, {pipeline_mode = #tpu.pipeline_mode<synchronous>, transform_indices = @transform_5, window_bounds = array<i64: 10000, 128>}]} {
    %eq3A = arith.constant 0 : i32
    %eq3A_0 = arith.cmpi eq, %arg0, %eq3A : i32
    %convert_element_type3A = arith.extui %eq3A_0 : i1 to i32
    %cond3A = arith.constant 0 : i32
    %cond3A_1 = arith.cmpi ne, %convert_element_type3A, %cond3A : i32
    scf.if %cond3A_1 {
      %broadcast_in_dim3A = arith.constant 0.000000e+00 : f32
      %broadcast_in_dim3A_6 = vector.broadcast %broadcast_in_dim3A : f32 to vector<10000x128xf32>
      %swap3A = arith.constant 0 : index
      %swap3A_7 = arith.constant 0 : index
      %swap3A_8 = vector.load %arg6[%swap3A, %swap3A_7] : memref<10000x128xf32, #tpu.memory_space<vmem>>, vector<10000x128xf32>
      tpu.vector_store %arg6[%swap3A, %swap3A_7], %broadcast_in_dim3A_6 {strides = array<i32>} : memref<10000x128xf32, #tpu.memory_space<vmem>>, vector<10000x128xf32>,
    } else {
    }
    %scan3A = arith.constant 0 : i32
    %scan3A_2 = arith.constant 4096 : i32
    %scan3A_3 = arith.addi %scan3A, %scan3A_2 : i32
    %scan3A_4 = arith.constant 1 : i32
    scf.for %scan3A_6 = %scan3A to %scan3A_3 step %scan3A_4  : i32 {
      %get3A = arith.index_cast %scan3A_6 : i32 to index
      %get3A_7 = memref.load %arg1[%get3A] : memref<4096xi32, #tpu.memory_space<smem>>
      %get3A_8 = arith.index_cast %scan3A_6 : i32 to index
      %get3A_9 = memref.load %arg2[%get3A_8] : memref<4096xi32, #tpu.memory_space<smem>>
      %get3A_10 = arith.index_cast %scan3A_6 : i32 to index
      %get3A_11 = memref.load %arg3[%get3A_10] : memref<4096xi32, #tpu.memory_space<smem>>
      %get3A_12 = arith.index_cast %get3A_7 : i32 to index
      %get3A_13 = arith.constant 0 : index
      %get3A_14 = vector.load %arg4[%get3A_12, %get3A_13] : memref<10000x128xf32, #tpu.memory_space<vmem>>, vector<1x128xf32>
      %get3A_15 = arith.index_cast %get3A_11 : i32 to index
      %get3A_16 = arith.constant 0 : index
      %get3A_17 = vector.load %arg5[%get3A_15, %get3A_16] : memref<222x128xf32, #tpu.memory_space<vmem>>, vector<1x128xf32>
      %mul3A = arith.mulf %get3A_14, %get3A_17 : vector<1x128xf32>
      %get3A_18 = arith.index_cast %get3A_9 : i32 to index
      %get3A_19 = arith.constant 0 : index
      %get3A_20 = vector.load %arg6[%get3A_18, %get3A_19] : memref<10000x128xf32, #tpu.memory_space<vmem>>, vector<1x128xf32>
      %add3A = arith.addf %get3A_20, %mul3A : vector<1x128xf32>
      %swap3A = arith.index_cast %get3A_9 : i32 to index
      %swap3A_21 = arith.constant 0 : index
      %swap3A_22 = vector.load %arg6[%swap3A, %swap3A_21] : memref<10000x128xf32, #tpu.memory_space<vmem>>, vector<1x128xf32>
      tpu.vector_store %arg6[%swap3A, %swap3A_21], %add3A {strides = array<i32>} : memref<10000x128xf32, #tpu.memory_space<vmem>>, vector<1x128xf32>,
    }
    %scan3A_5 = arith.constant 4096 : i32
    return
  }
  func.func @transform_0(%arg0: i32) -> i32 {
    %c0_i32 = arith.constant 0 : i32
    return %arg0 : i32
  }
  func.func @transform_1(%arg0: i32) -> i32 {
    %c0_i32 = arith.constant 0 : i32
    return %arg0 : i32
  }
  func.func @transform_2(%arg0: i32) -> i32 {
    %c0_i32 = arith.constant 0 : i32
    return %arg0 : i32
  }
  func.func @transform_3(%arg0: i32) -> (i32, i32) {
    %c0_i32 = arith.constant 0 : i32
    %c0_i32_0 = arith.constant 0 : i32
    %c0_i32_1 = arith.constant 0 : i32
    return %c0_i32, %c0_i32_0 : i32, i32
  }
  func.func @transform_4(%arg0: i32) -> (i32, i32) {
    %c0_i32 = arith.constant 0 : i32
    %c0_i32_0 = arith.constant 0 : i32
    %c0_i32_1 = arith.constant 0 : i32
    return %c0_i32, %c0_i32_0 : i32, i32
  }
  func.func @transform_5(%arg0: i32) -> (i32, i32) {
    %c0_i32 = arith.constant 0 : i32
    %c0_i32_0 = arith.constant 0 : i32
    %c0_i32_1 = arith.constant 0 : i32
    return %c0_i32, %c0_i32_0 : i32, i32
  }
}

module attributes {stable_mosaic.version = 14 : i64} {
  func.func @_edge_kernel(%arg0: i32, %arg1: memref<4096xi32, #tpu.memory_space<smem>>, %arg2: memref<4096xi32, #tpu.memory_space<smem>>, %arg3: memref<4096xi32, #tpu.memory_space<smem>>, %arg4: memref<10000x128xf32, #tpu.memory_space<vmem>>, %arg5: memref<222x128xf32, #tpu.memory_space<vmem>>, %arg6: memref<10000x128xf32, #tpu.memory_space<vmem>>) attributes {dimension_semantics = [#tpu.dimension_semantics<arbitrary>], iteration_bounds = array<i64: 40>, scalar_prefetch = 0 : i64, scratch_operands = 0 : i64, tpu.core_type = #tpu.core_type<tc>, window_params = [{transform_indices = @transform_0, window_bounds = array<i64: 4096>}, {transform_indices = @transform_1, window_bounds = array<i64: 4096>}, {transform_indices = @transform_2, window_bounds = array<i64: 4096>}, {pipeline_mode = #tpu.pipeline_mode<synchronous>, transform_indices = @transform_3, window_bounds = array<i64: 10000, 128>}, {pipeline_mode = #tpu.pipeline_mode<synchronous>, transform_indices = @transform_4, window_bounds = array<i64: 222, 128>}, {pipeline_mode = #tpu.pipeline_mode<synchronous>, transform_indices = @transform_5, window_bounds = array<i64: 10000, 128>}]} {
    %eq3A = arith.constant 0 : i32
    %eq3A_0 = arith.cmpi eq, %arg0, %eq3A : i32
    %convert_element_type3A = arith.extui %eq3A_0 : i1 to i32
    %cond3A = arith.constant 0 : i32
    %cond3A_1 = arith.cmpi ne, %convert_element_type3A, %cond3A : i32
    scf.if %cond3A_1 {
      %broadcast_in_dim3A = arith.constant 0.000000e+00 : f32
      %broadcast_in_dim3A_6 = vector.broadcast %broadcast_in_dim3A : f32 to vector<10000x128xf32>
      %swap3A = arith.constant 0 : index
      %swap3A_7 = arith.constant 0 : index
      %swap3A_8 = vector.load %arg6[%swap3A, %swap3A_7] : memref<10000x128xf32, #tpu.memory_space<vmem>>, vector<10000x128xf32>
      tpu.vector_store %arg6[%swap3A, %swap3A_7], %broadcast_in_dim3A_6 {strides = array<i32>} : memref<10000x128xf32, #tpu.memory_space<vmem>>, vector<10000x128xf32>,
    } else {
    }
    %scan3A = arith.constant 0 : i32
    %scan3A_2 = arith.constant 4096 : i32
    %scan3A_3 = arith.addi %scan3A, %scan3A_2 : i32
    %scan3A_4 = arith.constant 1 : i32
    scf.for %scan3A_6 = %scan3A to %scan3A_3 step %scan3A_4  : i32 {
      %get3A = arith.index_cast %scan3A_6 : i32 to index
      %get3A_7 = memref.load %arg1[%get3A] : memref<4096xi32, #tpu.memory_space<smem>>
      %get3A_8 = arith.index_cast %scan3A_6 : i32 to index
      %get3A_9 = memref.load %arg2[%get3A_8] : memref<4096xi32, #tpu.memory_space<smem>>
      %get3A_10 = arith.index_cast %scan3A_6 : i32 to index
      %get3A_11 = memref.load %arg3[%get3A_10] : memref<4096xi32, #tpu.memory_space<smem>>
      %get3A_12 = arith.index_cast %get3A_7 : i32 to index
      %get3A_13 = arith.constant 0 : index
      %get3A_14 = vector.load %arg4[%get3A_12, %get3A_13] : memref<10000x128xf32, #tpu.memory_space<vmem>>, vector<1x128xf32>
      %get3A_15 = arith.index_cast %get3A_11 : i32 to index
      %get3A_16 = arith.constant 0 : index
      %get3A_17 = vector.load %arg5[%get3A_15, %get3A_16] : memref<222x128xf32, #tpu.memory_space<vmem>>, vector<1x128xf32>
      %mul3A = arith.mulf %get3A_14, %get3A_17 : vector<1x128xf32>
      %get3A_18 = arith.index_cast %get3A_9 : i32 to index
      %get3A_19 = arith.constant 0 : index
      %get3A_20 = vector.load %arg6[%get3A_18, %get3A_19] : memref<10000x128xf32, #tpu.memory_space<vmem>>, vector<1x128xf32>
      %add3A = arith.addf %get3A_20, %mul3A : vector<1x128xf32>
      %swap3A = arith.index_cast %get3A_9 : i32 to index
      %swap3A_21 = arith.constant 0 : index
      %swap3A_22 = vector.load %arg6[%swap3A, %swap3A_21] : memref<10000x128xf32, #tpu.memory_space<vmem>>, vector<1x128xf32>
      tpu.vector_store %arg6[%swap3A, %swap3A_21], %add3A {strides = array<i32>} : memref<10000x128xf32, #tpu.memory_space<vmem>>, vector<1x128xf32>,
    }
    %scan3A_5 = arith.constant 4096 : i32
    return
  }
  func.func @transform_0(%arg0: i32) -> i32 {
    %c0_i32 = arith.constant 0 : i32
    return %arg0 : i32
  }
  func.func @transform_1(%arg0: i32) -> i32 {
    %c0_i32 = arith.constant 0 : i32
    return %arg0 : i32
  }
  func.func @transform_2(%arg0: i32) -> i32 {
    %c0_i32 = arith.constant 0 : i32
    return %arg0 : i32
  }
  func.func @transform_3(%arg0: i32) -> (i32, i32) {
    %c0_i32 = arith.constant 0 : i32
    %c0_i32_0 = arith.constant 0 : i32
    %c0_i32_1 = arith.constant 0 : i32
    return %c0_i32, %c0_i32_0 : i32, i32
  }
  func.func @transform_4(%arg0: i32) -> (i32, i32) {
    %c0_i32 = arith.constant 0 : i32
    %c0_i32_0 = arith.constant 0 : i32
    %c0_i32_1 = arith.constant 0 : i32
    return %c0_i32, %c0_i32_0 : i32, i32
  }
  func.func @transform_5(%arg0: i32) -> (i32, i32) {
    %c0_i32 = arith.constant 0 : i32
    %c0_i32_0 = arith.constant 0 : i32
    %c0_i32_1 = arith.constant 0 : i32
    return %c0_i32, %c0_i32_0 : i32, i32
  }
}

module attributes {stable_mosaic.version = 14 : i64} {
  func.func @_edge_kernel(%arg0: i32, %arg1: memref<4096xi32, #tpu.memory_space<smem>>, %arg2: memref<4096xi32, #tpu.memory_space<smem>>, %arg3: memref<4096xi32, #tpu.memory_space<smem>>, %arg4: memref<10000x128xf32, #tpu.memory_space<vmem>>, %arg5: memref<222x128xf32, #tpu.memory_space<vmem>>, %arg6: memref<10000x128xf32, #tpu.memory_space<vmem>>) attributes {dimension_semantics = [#tpu.dimension_semantics<arbitrary>], iteration_bounds = array<i64: 40>, scalar_prefetch = 0 : i64, scratch_operands = 0 : i64, tpu.core_type = #tpu.core_type<tc>, window_params = [{transform_indices = @transform_0, window_bounds = array<i64: 4096>}, {transform_indices = @transform_1, window_bounds = array<i64: 4096>}, {transform_indices = @transform_2, window_bounds = array<i64: 4096>}, {pipeline_mode = #tpu.pipeline_mode<synchronous>, transform_indices = @transform_3, window_bounds = array<i64: 10000, 128>}, {pipeline_mode = #tpu.pipeline_mode<synchronous>, transform_indices = @transform_4, window_bounds = array<i64: 222, 128>}, {pipeline_mode = #tpu.pipeline_mode<synchronous>, transform_indices = @transform_5, window_bounds = array<i64: 10000, 128>}]} {
    %eq3A = arith.constant 0 : i32
    %eq3A_0 = arith.cmpi eq, %arg0, %eq3A : i32
    %convert_element_type3A = arith.extui %eq3A_0 : i1 to i32
    %cond3A = arith.constant 0 : i32
    %cond3A_1 = arith.cmpi ne, %convert_element_type3A, %cond3A : i32
    scf.if %cond3A_1 {
      %broadcast_in_dim3A = arith.constant 0.000000e+00 : f32
      %broadcast_in_dim3A_6 = vector.broadcast %broadcast_in_dim3A : f32 to vector<10000x128xf32>
      %swap3A = arith.constant 0 : index
      %swap3A_7 = arith.constant 0 : index
      %swap3A_8 = vector.load %arg6[%swap3A, %swap3A_7] : memref<10000x128xf32, #tpu.memory_space<vmem>>, vector<10000x128xf32>
      tpu.vector_store %arg6[%swap3A, %swap3A_7], %broadcast_in_dim3A_6 {strides = array<i32>} : memref<10000x128xf32, #tpu.memory_space<vmem>>, vector<10000x128xf32>,
    } else {
    }
    %scan3A = arith.constant 0 : i32
    %scan3A_2 = arith.constant 4096 : i32
    %scan3A_3 = arith.addi %scan3A, %scan3A_2 : i32
    %scan3A_4 = arith.constant 1 : i32
    scf.for %scan3A_6 = %scan3A to %scan3A_3 step %scan3A_4  : i32 {
      %get3A = arith.index_cast %scan3A_6 : i32 to index
      %get3A_7 = memref.load %arg1[%get3A] : memref<4096xi32, #tpu.memory_space<smem>>
      %get3A_8 = arith.index_cast %scan3A_6 : i32 to index
      %get3A_9 = memref.load %arg2[%get3A_8] : memref<4096xi32, #tpu.memory_space<smem>>
      %get3A_10 = arith.index_cast %scan3A_6 : i32 to index
      %get3A_11 = memref.load %arg3[%get3A_10] : memref<4096xi32, #tpu.memory_space<smem>>
      %get3A_12 = arith.index_cast %get3A_7 : i32 to index
      %get3A_13 = arith.constant 0 : index
      %get3A_14 = vector.load %arg4[%get3A_12, %get3A_13] : memref<10000x128xf32, #tpu.memory_space<vmem>>, vector<1x128xf32>
      %get3A_15 = arith.index_cast %get3A_11 : i32 to index
      %get3A_16 = arith.constant 0 : index
      %get3A_17 = vector.load %arg5[%get3A_15, %get3A_16] : memref<222x128xf32, #tpu.memory_space<vmem>>, vector<1x128xf32>
      %mul3A = arith.mulf %get3A_14, %get3A_17 : vector<1x128xf32>
      %get3A_18 = arith.index_cast %get3A_9 : i32 to index
      %get3A_19 = arith.constant 0 : index
      %get3A_20 = vector.load %arg6[%get3A_18, %get3A_19] : memref<10000x128xf32, #tpu.memory_space<vmem>>, vector<1x128xf32>
      %add3A = arith.addf %get3A_20, %mul3A : vector<1x128xf32>
      %swap3A = arith.index_cast %get3A_9 : i32 to index
      %swap3A_21 = arith.constant 0 : index
      %swap3A_22 = vector.load %arg6[%swap3A, %swap3A_21] : memref<10000x128xf32, #tpu.memory_space<vmem>>, vector<1x128xf32>
      tpu.vector_store %arg6[%swap3A, %swap3A_21], %add3A {strides = array<i32>} : memref<10000x128xf32, #tpu.memory_space<vmem>>, vector<1x128xf32>,
    }
    %scan3A_5 = arith.constant 4096 : i32
    return
  }
  func.func @transform_0(%arg0: i32) -> i32 {
    %c0_i32 = arith.constant 0 : i32
    return %arg0 : i32
  }
  func.func @transform_1(%arg0: i32) -> i32 {
    %c0_i32 = arith.constant 0 : i32
    return %arg0 : i32
  }
  func.func @transform_2(%arg0: i32) -> i32 {
    %c0_i32 = arith.constant 0 : i32
    return %arg0 : i32
  }
  func.func @transform_3(%arg0: i32) -> (i32, i32) {
    %c0_i32 = arith.constant 0 : i32
    %c0_i32_0 = arith.constant 0 : i32
    %c0_i32_1 = arith.constant 0 : i32
    return %c0_i32, %c0_i32_0 : i32, i32
  }
  func.func @transform_4(%arg0: i32) -> (i32, i32) {
    %c0_i32 = arith.constant 0 : i32
    %c0_i32_0 = arith.constant 0 : i32
    %c0_i32_1 = arith.constant 0 : i32
    return %c0_i32, %c0_i32_0 : i32, i32
  }
  func.func @transform_5(%arg0: i32) -> (i32, i32) {
    %c0_i32 = arith.constant 0 : i32
    %c0_i32_0 = arith.constant 0 : i32
    %c0_i32_1 = arith.constant 0 : i32
    return %c0_i32, %c0_i32_0 : i32, i32
  }
}

module attributes {stable_mosaic.version = 14 : i64} {
  func.func @_edge_kernel(%arg0: i32, %arg1: memref<4096xi32, #tpu.memory_space<smem>>, %arg2: memref<4096xi32, #tpu.memory_space<smem>>, %arg3: memref<4096xi32, #tpu.memory_space<smem>>, %arg4: memref<10000x128xf32, #tpu.memory_space<vmem>>, %arg5: memref<222x128xf32, #tpu.memory_space<vmem>>, %arg6: memref<10000x128xf32, #tpu.memory_space<vmem>>) attributes {dimension_semantics = [#tpu.dimension_semantics<arbitrary>], iteration_bounds = array<i64: 40>, scalar_prefetch = 0 : i64, scratch_operands = 0 : i64, tpu.core_type = #tpu.core_type<tc>, window_params = [{transform_indices = @transform_0, window_bounds = array<i64: 4096>}, {transform_indices = @transform_1, window_bounds = array<i64: 4096>}, {transform_indices = @transform_2, window_bounds = array<i64: 4096>}, {pipeline_mode = #tpu.pipeline_mode<synchronous>, transform_indices = @transform_3, window_bounds = array<i64: 10000, 128>}, {pipeline_mode = #tpu.pipeline_mode<synchronous>, transform_indices = @transform_4, window_bounds = array<i64: 222, 128>}, {pipeline_mode = #tpu.pipeline_mode<synchronous>, transform_indices = @transform_5, window_bounds = array<i64: 10000, 128>}]} {
    %eq3A = arith.constant 0 : i32
    %eq3A_0 = arith.cmpi eq, %arg0, %eq3A : i32
    %convert_element_type3A = arith.extui %eq3A_0 : i1 to i32
    %cond3A = arith.constant 0 : i32
    %cond3A_1 = arith.cmpi ne, %convert_element_type3A, %cond3A : i32
    scf.if %cond3A_1 {
      %broadcast_in_dim3A = arith.constant 0.000000e+00 : f32
      %broadcast_in_dim3A_6 = vector.broadcast %broadcast_in_dim3A : f32 to vector<10000x128xf32>
      %swap3A = arith.constant 0 : index
      %swap3A_7 = arith.constant 0 : index
      %swap3A_8 = vector.load %arg6[%swap3A, %swap3A_7] : memref<10000x128xf32, #tpu.memory_space<vmem>>, vector<10000x128xf32>
      tpu.vector_store %arg6[%swap3A, %swap3A_7], %broadcast_in_dim3A_6 {strides = array<i32>} : memref<10000x128xf32, #tpu.memory_space<vmem>>, vector<10000x128xf32>,
    } else {
    }
    %scan3A = arith.constant 0 : i32
    %scan3A_2 = arith.constant 4096 : i32
    %scan3A_3 = arith.addi %scan3A, %scan3A_2 : i32
    %scan3A_4 = arith.constant 1 : i32
    scf.for %scan3A_6 = %scan3A to %scan3A_3 step %scan3A_4  : i32 {
      %get3A = arith.index_cast %scan3A_6 : i32 to index
      %get3A_7 = memref.load %arg1[%get3A] : memref<4096xi32, #tpu.memory_space<smem>>
      %get3A_8 = arith.index_cast %scan3A_6 : i32 to index
      %get3A_9 = memref.load %arg2[%get3A_8] : memref<4096xi32, #tpu.memory_space<smem>>
      %get3A_10 = arith.index_cast %scan3A_6 : i32 to index
      %get3A_11 = memref.load %arg3[%get3A_10] : memref<4096xi32, #tpu.memory_space<smem>>
      %get3A_12 = arith.index_cast %get3A_7 : i32 to index
      %get3A_13 = arith.constant 0 : index
      %get3A_14 = vector.load %arg4[%get3A_12, %get3A_13] : memref<10000x128xf32, #tpu.memory_space<vmem>>, vector<1x128xf32>
      %get3A_15 = arith.index_cast %get3A_11 : i32 to index
      %get3A_16 = arith.constant 0 : index
      %get3A_17 = vector.load %arg5[%get3A_15, %get3A_16] : memref<222x128xf32, #tpu.memory_space<vmem>>, vector<1x128xf32>
      %mul3A = arith.mulf %get3A_14, %get3A_17 : vector<1x128xf32>
      %get3A_18 = arith.index_cast %get3A_9 : i32 to index
      %get3A_19 = arith.constant 0 : index
      %get3A_20 = vector.load %arg6[%get3A_18, %get3A_19] : memref<10000x128xf32, #tpu.memory_space<vmem>>, vector<1x128xf32>
      %add3A = arith.addf %get3A_20, %mul3A : vector<1x128xf32>
      %swap3A = arith.index_cast %get3A_9 : i32 to index
      %swap3A_21 = arith.constant 0 : index
      %swap3A_22 = vector.load %arg6[%swap3A, %swap3A_21] : memref<10000x128xf32, #tpu.memory_space<vmem>>, vector<1x128xf32>
      tpu.vector_store %arg6[%swap3A, %swap3A_21], %add3A {strides = array<i32>} : memref<10000x128xf32, #tpu.memory_space<vmem>>, vector<1x128xf32>,
    }
    %scan3A_5 = arith.constant 4096 : i32
    return
  }
  func.func @transform_0(%arg0: i32) -> i32 {
    %c0_i32 = arith.constant 0 : i32
    return %arg0 : i32
  }
  func.func @transform_1(%arg0: i32) -> i32 {
    %c0_i32 = arith.constant 0 : i32
    return %arg0 : i32
  }
  func.func @transform_2(%arg0: i32) -> i32 {
    %c0_i32 = arith.constant 0 : i32
    return %arg0 : i32
  }
  func.func @transform_3(%arg0: i32) -> (i32, i32) {
    %c0_i32 = arith.constant 0 : i32
    %c0_i32_0 = arith.constant 0 : i32
    %c0_i32_1 = arith.constant 0 : i32
    return %c0_i32, %c0_i32_0 : i32, i32
  }
  func.func @transform_4(%arg0: i32) -> (i32, i32) {
    %c0_i32 = arith.constant 0 : i32
    %c0_i32_0 = arith.constant 0 : i32
    %c0_i32_1 = arith.constant 0 : i32
    return %c0_i32, %c0_i32_0 : i32, i32
  }
  func.func @transform_5(%arg0: i32) -> (i32, i32) {
    %c0_i32 = arith.constant 0 : i32
    %c0_i32_0 = arith.constant 0 : i32
    %c0_i32_1 = arith.constant 0 : i32
    return %c0_i32, %c0_i32_0 : i32, i32
  }
}

module attributes {stable_mosaic.version = 14 : i64} {
  func.func @_lin_kernel(%arg0: i32, %arg1: memref<2000x128xf32, #tpu.memory_space<vmem>>, %arg2: memref<128x128xf32, #tpu.memory_space<vmem>>, %arg3: memref<1x128xf32, #tpu.memory_space<vmem>>, %arg4: memref<2000x128xf32, #tpu.memory_space<vmem>>) attributes {dimension_semantics = [#tpu.dimension_semantics<arbitrary>], iteration_bounds = array<i64: 40>, scalar_prefetch = 0 : i64, scratch_operands = 0 : i64, tpu.core_type = #tpu.core_type<tc>, window_params = [{transform_indices = @transform_0, window_bounds = array<i64: 2000, 128>}, {pipeline_mode = #tpu.pipeline_mode<synchronous>, transform_indices = @transform_1, window_bounds = array<i64: 128, 128>}, {pipeline_mode = #tpu.pipeline_mode<synchronous>, transform_indices = @transform_2, window_bounds = array<i64: 1, 128>}, {transform_indices = @transform_3, window_bounds = array<i64: 2000, 128>}]} {
    %get3A = arith.constant 0 : index
    %get3A_0 = arith.constant 0 : index
    %get3A_1 = vector.load %arg1[%get3A, %get3A_0] : memref<2000x128xf32, #tpu.memory_space<vmem>>, vector<2000x128xf32>
    %get3A_2 = arith.constant 0 : index
    %get3A_3 = arith.constant 0 : index
    %get3A_4 = vector.load %arg2[%get3A_2, %get3A_3] : memref<128x128xf32, #tpu.memory_space<vmem>>, vector<128x128xf32>
    %dot_general3A = arith.constant dense<0.000000e+00> : vector<2000x128xf32>
    %dot_general3A_5 = tpu.matmul %get3A_1, %get3A_4, %dot_general3A {dimension_numbers = #tpu.dot_dimension_numbers<[1], [0], [0], [1], [0, 0, 1, 1], [], []>, transpose_lhs_hint = false} : vector<2000x128xf32>, vector<128x128xf32>, vector<2000x128xf32> -> vector<2000x128xf32>
    %get3A_6 = arith.constant 0 : index
    %get3A_7 = arith.constant 0 : index
    %get3A_8 = vector.load %arg3[%get3A_6, %get3A_7] : memref<1x128xf32, #tpu.memory_space<vmem>>, vector<1x128xf32>
    %add3A = vector.broadcast %get3A_8 : vector<1x128xf32> to vector<2000x128xf32>
    %add3A_9 = arith.addf %dot_general3A_5, %add3A : vector<2000x128xf32>
    %max3A = arith.constant 0.000000e+00 : f32
    %max3A_10 = vector.broadcast %max3A : f32 to vector<2000x128xf32>
    %max3A_11 = arith.maximumf %add3A_9, %max3A_10 : vector<2000x128xf32>
    %swap3A = arith.constant 0 : index
    %swap3A_12 = arith.constant 0 : index
    %swap3A_13 = vector.load %arg4[%swap3A, %swap3A_12] : memref<2000x128xf32, #tpu.memory_space<vmem>>, vector<2000x128xf32>
    tpu.vector_store %arg4[%swap3A, %swap3A_12], %max3A_11 {strides = array<i32>} : memref<2000x128xf32, #tpu.memory_space<vmem>>, vector<2000x128xf32>,
    return
  }
  func.func @transform_0(%arg0: i32) -> (i32, i32) {
    %c0_i32 = arith.constant 0 : i32
    %c0_i32_0 = arith.constant 0 : i32
    return %arg0, %c0_i32 : i32, i32
  }
  func.func @transform_1(%arg0: i32) -> (i32, i32) {
    %c0_i32 = arith.constant 0 : i32
    %c0_i32_0 = arith.constant 0 : i32
    %c0_i32_1 = arith.constant 0 : i32
    return %c0_i32, %c0_i32_0 : i32, i32
  }
  func.func @transform_2(%arg0: i32) -> (i32, i32) {
    %c0_i32 = arith.constant 0 : i32
    %c0_i32_0 = arith.constant 0 : i32
    %c0_i32_1 = arith.constant 0 : i32
    return %c0_i32, %c0_i32_0 : i32, i32
  }
  func.func @transform_3(%arg0: i32) -> (i32, i32) {
    %c0_i32 = arith.constant 0 : i32
    %c0_i32_0 = arith.constant 0 : i32
    return %arg0, %c0_i32 : i32, i32
  }
}

</mosaic_0001>

<sc_bundles>
// kernel: sparse-core-data-format-call.1.cloned.1.call-start
scs
called_computation.1_lowered:
.L_overlay_start_0:
0x0: {  	s1 =	sld [smem:$0x3FD9]  }
0x1: {  	s2 =	sld [smem:$0x3FFE];
	_ =	sdelay $0x1  }
0x2: {  	s3 =	srdreg.scid  }
0x3: {  	s0 =	sand.u32 $0x1, s3  }
0x4: {  	s17 =	sshll.u32 s0, $0xA;
	s1 =	sadd.s32 s2, s1  }
0x5: {  	s1 =	sadd.s32 s1, s17  }
0x6: {  	[smem:$0x3FB4] =	sst s1  }
0x7: {  	_ = 	snop  }
0x8: {  	(tm) =	ssettm $0x1  }
0x9: {  	s18 =	sld [smem:$0x3FFB];
	_ =	sdelay $0x3  }
0xa: {  	_ =	strace s18  }
0xb: {  	s1 =	sld [smem:$0x3FFC];
	_ =	sdelay $0x3  }
0xc: {  	_ =	strace s1  }
0xd: {  	s1 =	sld [smem:$0x3FFD];
	_ =	sdelay $0x3  }
0xe: {  	_ =	strace s1  }
0xf: {  	_ =	strace $0x8FFFFFFF  }
0x10: {  	s19 =	sld [smem:$0x3FDB];
	_ =	sdelay $0x1  }
0x11: {  	s20 =	simm.s32 $_scs_section_size  }
0x12: {  	s4 =	simm.s32 $_size__tile_overlayer_lowered;
	s5 =	simm.s32 $_tile_overlayer_lowered  }
0x13: {  	s23 =	simm.s32 $0x1BFF;
	s22 =	sshll.u32 s5, $0x1;
	s1 =	sadd.s32 s20, s19  }
0x14: {  	s6 =	simm.s32 $0x0;
	s21 =	sshll.u32 s4, $0x1;
	s4 =	sadd.s32 s22, s1  }
0x15: {  	[timem:s6], [sflag:s23] =	dma.local [hbm:s4], s21  }
0x16: {  	_ =	swait.ge [sflag:s23], s21  }
0x17: {  	s2 =	ssub.s32 $0x0, s21;
	[sflag:s23] =	ssyncset.done $0x0  }
0x18: {  	[sflag:s23] =	ssyncadd.s32 s2;
	_ =	sdelay $0x1  }
0x19: {  	s24 =	simm.s32 $0x1B8B  }
0x1a: {  	_ =	swait.ge [sflag:s24], $0x1  }
0x1b: {  	[sflag:s24] =	ssyncset.done $0x0  }
0x1c: {  	s26 =	simm.s32 $0x1B8E;
	s25 =	sld [smem:$0x3FFE];
	[sflag:s24] =	ssyncadd.s32 $0xFFFFFFFF  }
0x1d: {  	s27 =	simm.s32 $execute0_lowered;
	[smem:$0x3FD2] =	sst s26  }
0x1e: {  	s4 =	sshll.u32 s27, $0x1;
	_ =	strace $0x80000046;
	[dreg:$0x1] =	wrdreg $0xFFFFFFFF  }
0x1f: {  	s28 =	simm.s32 $_size_execute0_lowered;
	s1 =	sadd.s32 s1, s4;
	[dreg:$0x0] =	wrdreg $0x0  }
0x20: {  	s4 =	sshll.u32 s28, $0x1;
	[dreg:$0x2] =	wrdreg s1  }
0x21: {  	[dreg:$0x3] =	wrdreg s4  }
0x22: {  	[dreg:$0x4] =	wrdreg $0xC0  }
0x23: {  	_ =	task [dreg:s6], $0x5FFFF  }
0x24: {  	[dreg:$0x1] =	wrdreg $0xFFFFFFFF  }
0x25: {  	[dreg:$0x0] =	wrdreg $0x60  }
0x26: {  	[dreg:$0x2] =	wrdreg s25  }
0x27: {  	[dreg:$0x3] =	wrdreg $0x9  }
0x28: {  	_ =	task.clear_ibuf [dreg:s6], $0x4FFFF;
	_ =	strace $0x90000046  }
0x29: {  	s29 =	simm.s32 $0x9;
	_ =	strace $0x80000048  }
0x2a: {  	_ =	swait.ge [sflag:s29], $0x1  }
0x2b: {  	[sflag:s29] =	ssyncadd.s32 $0xFFFFFFFF  }
0x2c: {  	_ =	strace $0x90000048  }
0x2d: {  	_ =	sfence  }
0x2e: {  	s30 =	sld [smem:$0x0];
	_ =	sdelay $0x2  }
0x2f: {  	s31 =	sshll.u32 s3, $0xD;
	s3 =	sshrl.u32 s3, $0x2  }
0x30: {  	s2 =	sand.u32 $0x4000, s31;
	s1 =	sadd.s32 s3, s30  }
0x31: {  	s0 =	sor.u32 s2, s0;
	s1 =	sshll.u32 s1, $0x11  }
0x32: {  	s0 =	sor.u32 s1, s0  }
0x33: {  	s0 =	sadd.s32 $0x8F2B, s0  }
0x34: {  	[sflag:s0] =	ssyncadd.remote.s32 $0x1  }
0x35: {  	_ =	sfence.sel $0xFFFF  }
0x36: {  	[dreg:$0x0] =	wrdreg $0xFFFFFFFF;
	(pc) =	sbr.abs _section_cstart, $3  }
0x37: {  	[dreg:$0x1] =	wrdreg $0xFFFFFFFF  }
0x38: {  	_ =	task.clear_ibuf [dreg:s6], $0x2FFFF;
	_ =	strace $0x9FFFFFFF  }
0x39: {  	(tm) =	ssettm $0x7FFFFFFF  }
tec
execute0_lowered:
.L_overlay_start_1:
0x0: {  	(tag) =	ssettag $0x1  }
0x1: {  	s0 =	srdreg.scid  }
0x2: {  	s6 =	rddreg [dreg:$0x0];
	s7 =	simm.s32 $0x1;
	s1 =	sshll.u32 s0, $0x4  }
0x3: {  	s8 =	simm.s32 $0x2;
	s0 =	stileid.u32;
	s1 =	sand.u32 $0x10, s1  }
0x4: {  	s9 =	simm.s32 $0x0;
	s13 =	simm.s32 $0x0;
	s1 =	sor.u32 s0, s1  }
0x5: {  	s14 =	simm.s32 $0x0;
	s11 =	simm.s32 $0x0;
	s2 =	sshll.u32 s1, $0x4  }
0x6: {  	s12 =	simm.s32 $0x0;
	s3 =	sadd.s32 $0xB800, s6;
	s5 =	ssub.s32 $0x2710, s2  }
.Ltmp0:
0x7: {  	s6 =	sadd.s32 $0x144000, s6;
	s4 =	sand.u32 $0x1F0, s5;
	(pc) =	sbr.rel .LBB1_1-.Ltmp0, $4  }
0x8: {  	s1 =	rddreg [dreg:$0x1];
	_ =	strace $0x80000047;
	p0 =	sne.s32 s4, $0x0  }
0x9: {  	s5 =	sshrl.u32 s5, $0x9;
	s4 =	simm.s32 $0x1;
	s7 =	simm.s32 @!p0 $0x0  }
0xa: {  	s10 =	smov.u32 s2;
	[sflag:s4] =	ssyncpa.u1 $0x0;
	s5 =	sadd.s32 s7, s5  }
0xb: {  	[sflag:s8] =	ssyncpa.u1 $0x0;
	s8 =	simm.s32 $0x0;
	s7 =	sadd.s32 $0x1, s5  }
.LBB1_7:
0xc: {  	s15 =	sadd.s32 $0x200, s10  }
0xd: {  	s13 =	sadd.s32 $0x8, s11;
	s17 =	smov.u32 s11;
	p1 =	sgt.s32 s15, $0x270F  }
0xe: {  	s17 =	smov.u32 @p1 s13  }
0xf: {  	s15 =	smov.u32 @p1 s2;
	p1 =	sgt.s32 s17, $0x7  }
0x10: {  	s17 =	simm.s32 @p1 $0x0;
	p1 =	sne.s32 s12, s7  }
.Ltmp1:
0x11: {  	p0 =	slt.u32 s12, $0x2;
	(pc) =	sbr.rel @!p1 .LBB1_8-.Ltmp1, $4  }
0x12: {  	s16 =	simm.s32 @!p0 $0x2  }
0x13: {  	s14 =	smov.u32 s11;
	s9 =	sadd.s32 $0x4000, s9;
	_ =	swait.ge @!p0 [sflag:s16], $0x4000  }
0x14: {  	s13 =	smov.u32 s10;
	[sflag:s16] =	ssyncset.done @!p0 $0x0;
	s10 =	smov.u32 s15  }
0x15: {  	s12 =	sadd.s32 $0x1, s12;
	[sflag:s16] =	ssyncadd.s32 @!p0 $0xFFFFC000;
	s11 =	smov.u32 s17  }
.LBB1_1:
0x16: {  	p0 =	sge.u32 s12, s5  }
0x17: {  	s15 =	sand.u32 @!p0 $0x1FFFFFF, s10  }
0x18: {  	s16 =	smulhi.u32 @!p0 $0x1A36E2F, s15;
	_ =	sdelay $0x1  }
0x19: {  	s16 =	sshrl.u32 @!p0 s16, $0x6  }
0x1a: {  	s16 =	smul.u32 @!p0 $0x2710, s16  }
0x1b: {  	s17 =	sxor.u32 @!p0 $0xFFFFFFFF, s12;
	s18 =	smul.u32 @!p0 $0x27100, s11  }
0x1c: {  	s31 =	sadd.s32 $0xFFFFFFFF, s12;
	s17 =	sshll.u32 @!p0 s17, $0xE;
	s15 =	ssub.s32 @!p0 s15, s16  }
0x1d: {  	s16 =	sand.u32 @!p0 $0x4000, s17;
	s17 =	sadd.s32 @!p0 s3, s18;
	s15 =	sshll.u32 @!p0 s15, $0x4  }
0x1e: {  	s18 =	simm.s32 @!p0 $0x138800;
	s15 =	sadd.s32 @!p0 s15, s17;
	s17 =	simm.s32 @!p0 $0x800  }
0x1f: {  	[tilespmem:s16], [sflag:$0x1] =	stream.strided.gather @!p0 [hbm4b:s15+s17], $0x4000, s18, s17, $0x38;
	[tilespmem:$0x10000] =	vst v63  }
0x20: {  	p0 =	sge.u32 s31, s5  }
.Ltmp2:
0x21: {  	_ = 	snop;
	(pc) =	sbr.rel @p0 .LBB1_7-.Ltmp2, $1  }
0x22: {  	_ =	sdelay $0x3  }
0x23: {  	s16 =	sand.u32 $0x4000, s9  }
0x24: {  	_ =	swait.ge [sflag:s4], $0x4000;
	s18 =	sshll.u32 s12, $0xE;
	s15 =	sor.u32 $0x8040, s16  }
0x25: {  	s17 =	sor.u32 $0x40, s16;
	[sflag:s4] =	ssyncset.done $0x0;
	s31 =	sand.u32 $0x4000, s18  }
0x26: {  	s18 =	simm.s32 $0x0;
	[sflag:s4] =	ssyncadd.s32 $0xFFFFC000;
	s16 =	sor.u32 $0x8000, s31  }
.LBB1_3:
0x27: {  	v0 =	vmov s17;
	_ =	sdelay $0x3  }
0x28: {  	s20 =	simm.s32 $0x0  }
0x29: {  	v6 =	vld.idx.msk [tilespmem:v0+s20+$0x30 ss:$0x1], $0xffff  }
0x2a: {  	v7 =	vld.idx.msk [tilespmem:v0+s20+$0xFFFFFFC0 ss:$0x1], $0xffff  }
0x2b: {  	v5 =	vld.idx.msk [tilespmem:v0+s20+$0xFFFFFFD0 ss:$0x1], $0xffff  }
0x2c: {  	v4 =	vld.idx.msk [tilespmem:v0+s20+$0xFFFFFFE0 ss:$0x1], $0xffff  }
0x2d: {  	v3 =	vld.idx.msk [tilespmem:v0+s20+$0xFFFFFFF0 ss:$0x1], $0xffff  }
0x2e: {  	v1 =	vld.idx.msk [tilespmem:v0+s20+$0x0 ss:$0x1], $0xffff  }
0x2f: {  	v2 =	vld.idx.msk [tilespmem:v0+s20+$0x10 ss:$0x1], $0xffff;
	[tilespmem:s15+$0x30] =	vst v6  }
0x30: {  	s19 =	simm.s32 $0x80;
	s21 =	simm.s32 $0x400;
	[tilespmem:s15+$0xFFFFFFC0] =	vst v7;
	v6 =	vld.idx.msk [tilespmem:v0+s20+$0x20 ss:$0x1], $0xffff;
	s20 =	smov.u32 s15  }
.LBB1_4:
0x31: {  	p0 =	sne.s32 s21, $0x1E00;
	v7 =	vld.idx.msk [tilespmem:v0+s19+$0x30 ss:$0x1], $0xffff;
	[tilespmem:s20+$0xFFFFFFD0] =	vst v5  }
0x32: {  	v8 =	vld.idx.msk [tilespmem:v0+s19+$0xFFFFFFC0 ss:$0x1], $0xffff;
	[tilespmem:s20+$0xFFFFFFE0] =	vst v4  }
0x33: {  	v5 =	vld.idx.msk [tilespmem:v0+s19+$0xFFFFFFD0 ss:$0x1], $0xffff;
	[tilespmem:s20+$0xFFFFFFF0] =	vst v3  }
.Ltmp3:
0x34: {  	v4 =	vld.idx.msk [tilespmem:v0+s19+$0xFFFFFFE0 ss:$0x1], $0xffff;
	[tilespmem:s20+$0x0] =	vst v1;
	(pc) =	sbr.rel @p0 .LBB1_4-.Ltmp3, $4  }
0x35: {  	v3 =	vld.idx.msk [tilespmem:v0+s19+$0xFFFFFFF0 ss:$0x1], $0xffff;
	[tilespmem:s20+$0x10] =	vst v2  }
0x36: {  	v1 =	vld.idx.msk [tilespmem:v0+s19+$0x0 ss:$0x1], $0xffff;
	[tilespmem:s20+$0x20] =	vst v6;
	s20 =	sadd.s32 $0x400, s20  }
0x37: {  	v2 =	vld.idx.msk [tilespmem:v0+s19+$0x10 ss:$0x1], $0xffff;
	[tilespmem:s20+$0x30] =	vst v7  }
0x38: {  	[tilespmem:s20+$0xFFFFFFC0] =	vst v8;
	v6 =	vld.idx.msk [tilespmem:v0+s19+$0x20 ss:$0x1], $0xffff;
	s19 =	sshra.s32 s21, $0x2;
	s21 =	sadd.s32 $0x200, s21  }
0x39: {  	_ =	sdelay $0x2  }
0x3a: {  	[tilespmem:s20+$0xFFFFFFD0] =	vst v5  }
0x3b: {  	v56 =	vld.idx.msk [tilespmem:v0+s19+$0x30 ss:$0x1], $0xffff;
	[tilespmem:s20+$0xFFFFFFE0] =	vst v4  }
0x3c: {  	v57 =	vld.idx.msk [tilespmem:v0+s19+$0xFFFFFFC0 ss:$0x1], $0xffff;
	[tilespmem:s20+$0xFFFFFFF0] =	vst v3  }
0x3d: {  	v58 =	vld.idx.msk [tilespmem:v0+s19+$0xFFFFFFD0 ss:$0x1], $0xffff;
	[tilespmem:s20+$0x0] =	vst v1  }
0x3e: {  	v59 =	vld.idx.msk [tilespmem:v0+s19+$0xFFFFFFE0 ss:$0x1], $0xffff;
	[tilespmem:s20+$0x10] =	vst v2  }
0x3f: {  	v60 =	vld.idx.msk [tilespmem:v0+s19+$0xFFFFFFF0 ss:$0x1], $0xffff;
	s31 =	sadd.s32 $0x400, s20;
	[tilespmem:s20+$0x20] =	vst v6  }
0x40: {  	v61 =	vld.idx.msk [tilespmem:v0+s19+$0x0 ss:$0x1], $0xffff;
	[tilespmem:s31+$0x30] =	vst v56  }
0x41: {  	v62 =	vld.idx.msk [tilespmem:v0+s19+$0x10 ss:$0x1], $0xffff;
	s18 =	sadd.s32 $0x1, s18;
	[tilespmem:s31+$0xFFFFFFC0] =	vst v57  }
0x42: {  	v63 =	vld.idx.msk [tilespmem:v0+s19+$0x20 ss:$0x1], $0xffff;
	p0 =	sne.s32 s18, $0x8;
	[tilespmem:s31+$0xFFFFFFD0] =	vst v58  }
.Ltmp4:
0x43: {  	[tilespmem:s31+$0xFFFFFFE0] =	vst v59;
	(pc) =	sbr.rel @p0 .LBB1_3-.Ltmp4, $4  }
0x44: {  	[tilespmem:s31+$0xFFFFFFF0] =	vst v60  }
0x45: {  	[tilespmem:s31+$0x0] =	vst v61  }
0x46: {  	[tilespmem:s31+$0x10] =	vst v62  }
0x47: {  	s15 =	sadd.s32 $0x80, s15;
	s17 =	sadd.s32 $0x800, s17;
	[tilespmem:s31+$0x20] =	vst v63  }
.Ltmp5:
0x48: {  	s14 =	sshll.u32 s14, $0x4;
	(pc) =	sbr.rel .LBB1_7-.Ltmp5, $4  }
0x49: {  	s14 =	sand.u32 $0x70, s14  }
0x4a: {  	s13 =	sshll.u32 s13, $0x7;
	s14 =	sadd.s32 s6, s14  }
0x4b: {  	s13 =	sadd.s32 s13, s14  }
0x4c: {  	[hbm4b:s13+s8] =	stream.linear.scatter [tilespmem:s16], [sflag:$0x2], $0x4000, $0x38;
	[tilespmem:$0x10000] =	vst v63  }
.LBB1_8:
0x4d: {  	_ =	sfence.sel $0x180000  }
0x4e: {  	s2 =	simm.s32 $0x1;
	[bflag:$0x0] =	sbarrier.arrive $0xFFFF  }
0x4f: {  	s31 =	simm.s32 $0x2;
	[sflag:s2] =	ssyncpa.u1 $0x1  }
0x50: {  	[sflag:s31] =	ssyncpa.u1 $0x1  }
0x51: {  	p0 =	sne.s32 s0, $0x0;
	_ =	strace $0x90000047  }
0x52: {  	s0 =	sadd.s32 @!p0 $0x100000, s1;
	[bflag:$0x2] =	sbarrier.arrive $0xFFFF  }
0x53: {  	[sflag:s0] =	ssyncadd.tile.s32 @!p0 $0x1;
	_ =	shalt  }
.Lfunc_end1:
_tile_overlayer_lowered:
.L_overlay_start_2:
0x54: {  	(tag) =	ssettag $0x2  }
0x55: {  	s0 =	rddreg [dreg:$0x0];
	s2 =	stileid.u32  }
0x56: {  	s1 =	rddreg [dreg:$0x1];
	p0 =	sne.s32 s2, $0x0  }
0x57: {  	s3 =	rddreg [dreg:$0x2];
	[bflag:$0x3] =	sbarrier.arrive $0xFFFF;
	s2 =	simm.s32 @!p0 $0x1C01  }
0x58: {  	[timem:s3], [sflag:s2] =	dma.local @!p0 [hbm:s0], s1  }
0x59: {  	s0 =	simm.s32 @!p0 $0x1  }
0x5a: {  	_ =	swait.ge @!p0 [sflag:s0], s1  }
0x5b: {  	s1 =	ssub.s32 @!p0 $0x0, s1;
	[sflag:s0] =	ssyncset.done @!p0 $0x0  }
0x5c: {  	[sflag:s0] =	ssyncadd.s32 @!p0 s1  }
0x5d: {  	[bflag:$0x3] =	sbarrier.arrive $0xFFFF  }
0x5e: {  	_ =	shalt  }

// kernel: sparse-core-data-format-call.2.cloned.1.call-start
scs
called_computation.2_lowered:
.L_overlay_start_0:
0x0: {  	s2 =	sld [smem:$0x3FD9]  }
0x1: {  	s3 =	sld [smem:$0x3FFE];
	_ =	sdelay $0x1  }
0x2: {  	s1 =	srdreg.scid  }
0x3: {  	s0 =	sand.u32 $0x1, s1  }
0x4: {  	s18 =	sshll.u32 s0, $0xA;
	s2 =	sadd.s32 s3, s2  }
0x5: {  	s2 =	sadd.s32 s2, s18  }
0x6: {  	[smem:$0x3FB4] =	sst s2  }
0x7: {  	_ = 	snop  }
0x8: {  	(tm) =	ssettm $0x1  }
0x9: {  	s19 =	sld [smem:$0x3FFB];
	_ =	sdelay $0x3  }
0xa: {  	_ =	strace s19  }
0xb: {  	s2 =	sld [smem:$0x3FFC];
	_ =	sdelay $0x3  }
0xc: {  	_ =	strace s2  }
0xd: {  	s2 =	sld [smem:$0x3FFD];
	_ =	sdelay $0x3  }
0xe: {  	_ =	strace s2  }
0xf: {  	_ =	strace $0x8FFFFFFF  }
0x10: {  	s20 =	sld [smem:$0x3FDB];
	_ =	sdelay $0x1  }
0x11: {  	s21 =	simm.s32 $_scs_section_size  }
0x12: {  	s4 =	simm.s32 $_size__tile_overlayer_lowered;
	s5 =	simm.s32 $_tile_overlayer_lowered  }
0x13: {  	s6 =	simm.s32 $0x1BFF;
	s22 =	sshll.u32 s5, $0x1;
	s3 =	sadd.s32 s21, s20  }
0x14: {  	s23 =	simm.s32 $0x0;
	s4 =	sshll.u32 s4, $0x1;
	s5 =	sadd.s32 s22, s3  }
0x15: {  	[timem:s23], [sflag:s6] =	dma.local [hbm:s5], s4  }
0x16: {  	_ =	swait.ge [sflag:s6], s4  }
0x17: {  	s4 =	ssub.s32 $0x0, s4;
	[sflag:s6] =	ssyncset.done $0x0  }
0x18: {  	[sflag:s6] =	ssyncadd.s32 s4;
	_ =	sdelay $0x1  }
0x19: {  	s24 =	simm.s32 $0x1B8B  }
0x1a: {  	_ =	swait.ge [sflag:s24], $0x1  }
0x1b: {  	[sflag:s24] =	ssyncset.done $0x0  }
0x1c: {  	[sflag:s24] =	ssyncadd.s32 $0xFFFFFFFF  }
0x1d: {  	s4 =	sld [smem:$0x0]  }
0x1e: {  	s5 =	sand.u32 $0xFFFFFFFE, s1  }
0x1f: {  	p0 =	sne.s32 s1, s5  }
0x20: {  	s5 =	sshll.u32 @p0 s5, $0xE  }
0x21: {  	s5 =	sadd.s32 @p0 $0x11B8D, s5;
	s6 =	sshll.u32 @p0 s4, $0x11  }
0x22: {  	s5 =	sor.u32 @p0 s6, s5  }
0x23: {  	[sflag:s5] =	ssyncadd.remote.s32 @p0 $0x1;
	_ =	sdelay $0x1  }
0x24: {  	s5 =	simm.s32 @p0 $0x1B8D  }
0x25: {  	_ =	swait.eq @p0 [sflag:s5], $0x1  }
0x26: {  	[sflag:s5] =	ssyncadd.s32 @p0 $0xFFFFFFFF  }
0x27: {  	s6 =	sshll.u32 @!p0 s1, $0xE  }
0x28: {  	s6 =	sor.u32 @!p0 $0x4000, s6;
	s5 =	simm.s32 @!p0 $0x1B8D  }
0x29: {  	s4 =	sshll.u32 @!p0 s4, $0x11;
	s6 =	sadd.s32 @!p0 $0x11B8D, s6;
	_ =	swait.eq @!p0 [sflag:s5], $0x1  }
0x2a: {  	s4 =	sor.u32 @!p0 s4, s6;
	[sflag:s5] =	ssyncadd.s32 @!p0 $0xFFFFFFFF  }
0x2b: {  	s26 =	simm.s32 $0x1B8E;
	s25 =	sld [smem:$0x3FFE];
	[sflag:s4] =	ssyncadd.remote.s32 @!p0 $0x1  }
0x2c: {  	s27 =	simm.s32 $execute0_lowered;
	[smem:$0x3FD2] =	sst s26  }
0x2d: {  	s5 =	sshll.u32 s27, $0x1;
	_ =	strace $0x8000004F;
	[dreg:$0x1] =	wrdreg $0xFFFFFFFF  }
0x2e: {  	s28 =	simm.s32 $_size_execute0_lowered;
	s3 =	sadd.s32 s3, s5;
	[dreg:$0x0] =	wrdreg $0x0  }
0x2f: {  	s5 =	sshll.u32 s28, $0x1;
	[dreg:$0x2] =	wrdreg s3  }
0x30: {  	[dreg:$0x3] =	wrdreg s5  }
0x31: {  	[dreg:$0x4] =	wrdreg $0xC0  }
0x32: {  	_ =	task [dreg:s23], $0x5FFFF  }
0x33: {  	[dreg:$0x1] =	wrdreg $0xFFFFFFFF  }
0x34: {  	[dreg:$0x0] =	wrdreg $0x60  }
0x35: {  	[dreg:$0x2] =	wrdreg s25  }
0x36: {  	[dreg:$0x3] =	wrdreg $0xA  }
0x37: {  	_ =	task.clear_ibuf [dreg:s23], $0x4FFFF;
	_ =	strace $0x9000004F  }
0x38: {  	s29 =	simm.s32 $0xA;
	_ =	strace $0x80000051  }
0x39: {  	_ =	swait.ge [sflag:s29], $0x1  }
0x3a: {  	[sflag:s29] =	ssyncadd.s32 $0xFFFFFFFF  }
0x3b: {  	_ =	strace $0x90000051  }
0x3c: {  	_ =	sfence  }
0x3d: {  	s30 =	sld [smem:$0x0];
	_ =	sdelay $0x2  }
0x3e: {  	s31 =	sshll.u32 s1, $0xD;
	s1 =	sshrl.u32 s1, $0x2  }
0x3f: {  	s4 =	sand.u32 $0x4000, s31;
	s1 =	sadd.s32 s1, s30  }
0x40: {  	s0 =	sor.u32 s4, s0;
	s1 =	sshll.u32 s1, $0x11  }
0x41: {  	s0 =	sor.u32 s1, s0  }
0x42: {  	s0 =	sadd.s32 $0x8F2B, s0  }
0x43: {  	[sflag:s0] =	ssyncadd.remote.s32 $0x1  }
0x44: {  	_ =	sfence.sel $0xFFFF  }
0x45: {  	[dreg:$0x0] =	wrdreg $0xFFFFFFFF;
	(pc) =	sbr.abs _section_cstart, $3  }
0x46: {  	[dreg:$0x1] =	wrdreg $0xFFFFFFFF  }
0x47: {  	_ =	task.clear_ibuf [dreg:s23], $0x2FFFF;
	_ =	strace $0x9FFFFFFF  }
0x48: {  	(tm) =	ssettm $0x7FFFFFFF  }
0x49: {  	_ =	shalt  }
tec
execute0_lowered:
.L_overlay_start_1:
0x0: {  	(tag) =	ssettag $0x1  }
0x1: {  	s0 =	srdreg.scid  }
0x2: {  	s6 =	rddreg [dreg:$0x0];
	s7 =	simm.s32 $0x1;
	s1 =	sshll.u32 s0, $0x4  }
0x3: {  	s8 =	simm.s32 $0x2;
	s0 =	stileid.u32;
	s1 =	sand.u32 $0x10, s1  }
0x4: {  	s9 =	simm.s32 $0x0;
	s13 =	simm.s32 $0x0;
	s1 =	sor.u32 s0, s1  }
0x5: {  	s14 =	simm.s32 $0x0;
	s11 =	simm.s32 $0x0;
	s2 =	sshll.u32 s1, $0x4  }
0x6: {  	s12 =	simm.s32 $0x0;
	s3 =	sadd.s32 $0x27C600, s6;
	s5 =	ssub.s32 $0x2710, s2  }
.Ltmp0:
0x7: {  	s6 =	sadd.s32 $0x3B4E00, s6;
	s4 =	sand.u32 $0x1F0, s5;
	(pc) =	sbr.rel .LBB1_1-.Ltmp0, $4  }
0x8: {  	s1 =	rddreg [dreg:$0x1];
	_ =	strace $0x80000050;
	p0 =	sne.s32 s4, $0x0  }
0x9: {  	s5 =	sshrl.u32 s5, $0x9;
	s4 =	simm.s32 $0x1;
	s7 =	simm.s32 @!p0 $0x0  }
0xa: {  	s10 =	smov.u32 s2;
	[sflag:s4] =	ssyncpa.u1 $0x0;
	s5 =	sadd.s32 s7, s5  }
0xb: {  	[sflag:s8] =	ssyncpa.u1 $0x0;
	s8 =	simm.s32 $0x0;
	s7 =	sadd.s32 $0x1, s5  }
.LBB1_7:
0xc: {  	s15 =	sadd.s32 $0x200, s10  }
0xd: {  	s13 =	sadd.s32 $0x8, s11;
	s17 =	smov.u32 s11;
	p1 =	sgt.s32 s15, $0x270F  }
0xe: {  	s17 =	smov.u32 @p1 s13  }
0xf: {  	s15 =	smov.u32 @p1 s2;
	p1 =	sgt.s32 s17, $0x7  }
0x10: {  	s17 =	simm.s32 @p1 $0x0;
	p1 =	sne.s32 s12, s7  }
.Ltmp1:
0x11: {  	p0 =	slt.u32 s12, $0x2;
	(pc) =	sbr.rel @!p1 .LBB1_8-.Ltmp1, $4  }
0x12: {  	s16 =	simm.s32 @!p0 $0x2  }
0x13: {  	s14 =	smov.u32 s11;
	s9 =	sadd.s32 $0x4000, s9;
	_ =	swait.ge @!p0 [sflag:s16], $0x4000  }
0x14: {  	s13 =	smov.u32 s10;
	[sflag:s16] =	ssyncset.done @!p0 $0x0;
	s10 =	smov.u32 s15  }
0x15: {  	s12 =	sadd.s32 $0x1, s12;
	[sflag:s16] =	ssyncadd.s32 @!p0 $0xFFFFC000;
	s11 =	smov.u32 s17  }
.LBB1_1:
0x16: {  	p0 =	sge.u32 s12, s5  }
0x17: {  	s15 =	sand.u32 @!p0 $0x1FFFFFF, s10  }
0x18: {  	s16 =	smulhi.u32 @!p0 $0x1A36E2F, s15;
	_ =	sdelay $0x1  }
0x19: {  	s16 =	sshrl.u32 @!p0 s16, $0x6  }
0x1a: {  	s16 =	smul.u32 @!p0 $0x2710, s16  }
0x1b: {  	s17 =	sxor.u32 @!p0 $0xFFFFFFFF, s12;
	s18 =	smul.u32 @!p0 $0x27100, s11  }
0x1c: {  	s31 =	sadd.s32 $0xFFFFFFFF, s12;
	s17 =	sshll.u32 @!p0 s17, $0xE;
	s15 =	ssub.s32 @!p0 s15, s16  }
0x1d: {  	s16 =	sand.u32 @!p0 $0x4000, s17;
	s17 =	sadd.s32 @!p0 s3, s18;
	s15 =	sshll.u32 @!p0 s15, $0x4  }
0x1e: {  	s18 =	simm.s32 @!p0 $0x138800;
	s15 =	sadd.s32 @!p0 s15, s17;
	s17 =	simm.s32 @!p0 $0x800  }
0x1f: {  	[tilespmem:s16], [sflag:$0x1] =	stream.strided.gather @!p0 [hbm4b:s15+s17], $0x4000, s18, s17, $0x38;
	[tilespmem:$0x10000] =	vst v63  }
0x20: {  	p0 =	sge.u32 s31, s5  }
.Ltmp2:
0x21: {  	_ = 	snop;
	(pc) =	sbr.rel @p0 .LBB1_7-.Ltmp2, $1  }
0x22: {  	_ =	sdelay $0x3  }
0x23: {  	s16 =	sand.u32 $0x4000, s9  }
0x24: {  	_ =	swait.ge [sflag:s4], $0x4000;
	s18 =	sshll.u32 s12, $0xE;
	s15 =	sor.u32 $0x8040, s16  }
0x25: {  	s17 =	sor.u32 $0x40, s16;
	[sflag:s4] =	ssyncset.done $0x0;
	s31 =	sand.u32 $0x4000, s18  }
0x26: {  	s18 =	simm.s32 $0x0;
	[sflag:s4] =	ssyncadd.s32 $0xFFFFC000;
	s16 =	sor.u32 $0x8000, s31  }
.LBB1_3:
0x27: {  	v0 =	vmov s17;
	_ =	sdelay $0x3  }
0x28: {  	s20 =	simm.s32 $0x0  }
0x29: {  	v6 =	vld.idx.msk [tilespmem:v0+s20+$0x30 ss:$0x1], $0xffff  }
0x2a: {  	v7 =	vld.idx.msk [tilespmem:v0+s20+$0xFFFFFFC0 ss:$0x1], $0xffff  }
0x2b: {  	v5 =	vld.idx.msk [tilespmem:v0+s20+$0xFFFFFFD0 ss:$0x1], $0xffff  }
0x2c: {  	v4 =	vld.idx.msk [tilespmem:v0+s20+$0xFFFFFFE0 ss:$0x1], $0xffff  }
0x2d: {  	v3 =	vld.idx.msk [tilespmem:v0+s20+$0xFFFFFFF0 ss:$0x1], $0xffff  }
0x2e: {  	v1 =	vld.idx.msk [tilespmem:v0+s20+$0x0 ss:$0x1], $0xffff  }
0x2f: {  	v2 =	vld.idx.msk [tilespmem:v0+s20+$0x10 ss:$0x1], $0xffff;
	[tilespmem:s15+$0x30] =	vst v6  }
0x30: {  	s19 =	simm.s32 $0x80;
	s21 =	simm.s32 $0x400;
	[tilespmem:s15+$0xFFFFFFC0] =	vst v7;
	v6 =	vld.idx.msk [tilespmem:v0+s20+$0x20 ss:$0x1], $0xffff;
	s20 =	smov.u32 s15  }
.LBB1_4:
0x31: {  	p0 =	sne.s32 s21, $0x1E00;
	v7 =	vld.idx.msk [tilespmem:v0+s19+$0x30 ss:$0x1], $0xffff;
	[tilespmem:s20+$0xFFFFFFD0] =	vst v5  }
0x32: {  	v8 =	vld.idx.msk [tilespmem:v0+s19+$0xFFFFFFC0 ss:$0x1], $0xffff;
	[tilespmem:s20+$0xFFFFFFE0] =	vst v4  }
0x33: {  	v5 =	vld.idx.msk [tilespmem:v0+s19+$0xFFFFFFD0 ss:$0x1], $0xffff;
	[tilespmem:s20+$0xFFFFFFF0] =	vst v3  }
.Ltmp3:
0x34: {  	v4 =	vld.idx.msk [tilespmem:v0+s19+$0xFFFFFFE0 ss:$0x1], $0xffff;
	[tilespmem:s20+$0x0] =	vst v1;
	(pc) =	sbr.rel @p0 .LBB1_4-.Ltmp3, $4  }
0x35: {  	v3 =	vld.idx.msk [tilespmem:v0+s19+$0xFFFFFFF0 ss:$0x1], $0xffff;
	[tilespmem:s20+$0x10] =	vst v2  }
0x36: {  	v1 =	vld.idx.msk [tilespmem:v0+s19+$0x0 ss:$0x1], $0xffff;
	[tilespmem:s20+$0x20] =	vst v6;
	s20 =	sadd.s32 $0x400, s20  }
0x37: {  	v2 =	vld.idx.msk [tilespmem:v0+s19+$0x10 ss:$0x1], $0xffff;
	[tilespmem:s20+$0x30] =	vst v7  }
0x38: {  	[tilespmem:s20+$0xFFFFFFC0] =	vst v8;
	v6 =	vld.idx.msk [tilespmem:v0+s19+$0x20 ss:$0x1], $0xffff;
	s19 =	sshra.s32 s21, $0x2;
	s21 =	sadd.s32 $0x200, s21  }
0x39: {  	_ =	sdelay $0x2  }
0x3a: {  	[tilespmem:s20+$0xFFFFFFD0] =	vst v5  }
0x3b: {  	v56 =	vld.idx.msk [tilespmem:v0+s19+$0x30 ss:$0x1], $0xffff;
	[tilespmem:s20+$0xFFFFFFE0] =	vst v4  }
0x3c: {  	v57 =	vld.idx.msk [tilespmem:v0+s19+$0xFFFFFFC0 ss:$0x1], $0xffff;
	[tilespmem:s20+$0xFFFFFFF0] =	vst v3  }
0x3d: {  	v58 =	vld.idx.msk [tilespmem:v0+s19+$0xFFFFFFD0 ss:$0x1], $0xffff;
	[tilespmem:s20+$0x0] =	vst v1  }
0x3e: {  	v59 =	vld.idx.msk [tilespmem:v0+s19+$0xFFFFFFE0 ss:$0x1], $0xffff;
	[tilespmem:s20+$0x10] =	vst v2  }
0x3f: {  	v60 =	vld.idx.msk [tilespmem:v0+s19+$0xFFFFFFF0 ss:$0x1], $0xffff;
	s31 =	sadd.s32 $0x400, s20;
	[tilespmem:s20+$0x20] =	vst v6  }
0x40: {  	v61 =	vld.idx.msk [tilespmem:v0+s19+$0x0 ss:$0x1], $0xffff;
	[tilespmem:s31+$0x30] =	vst v56  }
0x41: {  	v62 =	vld.idx.msk [tilespmem:v0+s19+$0x10 ss:$0x1], $0xffff;
	s18 =	sadd.s32 $0x1, s18;
	[tilespmem:s31+$0xFFFFFFC0] =	vst v57  }
0x42: {  	v63 =	vld.idx.msk [tilespmem:v0+s19+$0x20 ss:$0x1], $0xffff;
	p0 =	sne.s32 s18, $0x8;
	[tilespmem:s31+$0xFFFFFFD0] =	vst v58  }
.Ltmp4:
0x43: {  	[tilespmem:s31+$0xFFFFFFE0] =	vst v59;
	(pc) =	sbr.rel @p0 .LBB1_3-.Ltmp4, $4  }
0x44: {  	[tilespmem:s31+$0xFFFFFFF0] =	vst v60  }
0x45: {  	[tilespmem:s31+$0x0] =	vst v61  }
0x46: {  	[tilespmem:s31+$0x10] =	vst v62  }
0x47: {  	s15 =	sadd.s32 $0x80, s15;
	s17 =	sadd.s32 $0x800, s17;
	[tilespmem:s31+$0x20] =	vst v63  }
.Ltmp5:
0x48: {  	s14 =	sshll.u32 s14, $0x4;
	(pc) =	sbr.rel .LBB1_7-.Ltmp5, $4  }
0x49: {  	s14 =	sand.u32 $0x70, s14  }
0x4a: {  	s13 =	sshll.u32 s13, $0x7;
	s14 =	sadd.s32 s6, s14  }
0x4b: {  	s13 =	sadd.s32 s13, s14  }
0x4c: {  	[hbm4b:s13+s8] =	stream.linear.scatter [tilespmem:s16], [sflag:$0x2], $0x4000, $0x38;
	[tilespmem:$0x10000] =	vst v63  }
.LBB1_8:
0x4d: {  	_ =	sfence.sel $0x180000  }
0x4e: {  	s2 =	simm.s32 $0x1;
	[bflag:$0x0] =	sbarrier.arrive $0xFFFF  }
0x4f: {  	s31 =	simm.s32 $0x2;
	[sflag:s2] =	ssyncpa.u1 $0x1  }
0x50: {  	[sflag:s31] =	ssyncpa.u1 $0x1  }
0x51: {  	p0 =	sne.s32 s0, $0x0;
	_ =	strace $0x90000050  }
0x52: {  	s0 =	sadd.s32 @!p0 $0x100000, s1;
	[bflag:$0x2] =	sbarrier.arrive $0xFFFF  }
0x53: {  	[sflag:s0] =	ssyncadd.tile.s32 @!p0 $0x1;
	_ =	shalt  }
.Lfunc_end1:
_tile_overlayer_lowered:
.L_overlay_start_2:
0x54: {  	(tag) =	ssettag $0x2  }
0x55: {  	s0 =	rddreg [dreg:$0x0];
	s2 =	stileid.u32  }
0x56: {  	s1 =	rddreg [dreg:$0x1];
	p0 =	sne.s32 s2, $0x0  }
0x57: {  	s3 =	rddreg [dreg:$0x2];
	[bflag:$0x3] =	sbarrier.arrive $0xFFFF;
	s2 =	simm.s32 @!p0 $0x1C01  }
0x58: {  	[timem:s3], [sflag:s2] =	dma.local @!p0 [hbm:s0], s1  }
0x59: {  	s0 =	simm.s32 @!p0 $0x1  }
0x5a: {  	_ =	swait.ge @!p0 [sflag:s0], s1  }
0x5b: {  	s1 =	ssub.s32 @!p0 $0x0, s1;
	[sflag:s0] =	ssyncset.done @!p0 $0x0  }
0x5c: {  	[sflag:s0] =	ssyncadd.s32 @!p0 s1  }
0x5d: {  	[bflag:$0x3] =	sbarrier.arrive $0xFFFF  }
0x5e: {  	_ =	shalt  }

// kernel: sparse-core-data-format-call.3.cloned.1.call-start
scs
called_computation.3_lowered:
.L_overlay_start_0:
0x0: {  	s2 =	sld [smem:$0x3FD9]  }
0x1: {  	s3 =	sld [smem:$0x3FFE];
	_ =	sdelay $0x1  }
0x2: {  	s1 =	srdreg.scid  }
0x3: {  	s0 =	sand.u32 $0x1, s1  }
0x4: {  	s18 =	sshll.u32 s0, $0xA;
	s2 =	sadd.s32 s3, s2  }
0x5: {  	s2 =	sadd.s32 s2, s18  }
0x6: {  	[smem:$0x3FB4] =	sst s2  }
0x7: {  	_ = 	snop  }
0x8: {  	(tm) =	ssettm $0x1  }
0x9: {  	s19 =	sld [smem:$0x3FFB];
	_ =	sdelay $0x3  }
0xa: {  	_ =	strace s19  }
0xb: {  	s2 =	sld [smem:$0x3FFC];
	_ =	sdelay $0x3  }
0xc: {  	_ =	strace s2  }
0xd: {  	s2 =	sld [smem:$0x3FFD];
	_ =	sdelay $0x3  }
0xe: {  	_ =	strace s2  }
0xf: {  	_ =	strace $0x8FFFFFFF  }
0x10: {  	s20 =	sld [smem:$0x3FDB];
	_ =	sdelay $0x1  }
0x11: {  	s21 =	simm.s32 $_scs_section_size  }
0x12: {  	s4 =	simm.s32 $_size__tile_overlayer_lowered;
	s5 =	simm.s32 $_tile_overlayer_lowered  }
0x13: {  	s6 =	simm.s32 $0x1BFF;
	s22 =	sshll.u32 s5, $0x1;
	s3 =	sadd.s32 s21, s20  }
0x14: {  	s23 =	simm.s32 $0x0;
	s4 =	sshll.u32 s4, $0x1;
	s5 =	sadd.s32 s22, s3  }
0x15: {  	[timem:s23], [sflag:s6] =	dma.local [hbm:s5], s4  }
0x16: {  	_ =	swait.ge [sflag:s6], s4  }
0x17: {  	s4 =	ssub.s32 $0x0, s4;
	[sflag:s6] =	ssyncset.done $0x0  }
0x18: {  	[sflag:s6] =	ssyncadd.s32 s4;
	_ =	sdelay $0x1  }
0x19: {  	s24 =	simm.s32 $0x1B8B  }
0x1a: {  	_ =	swait.ge [sflag:s24], $0x1  }
0x1b: {  	[sflag:s24] =	ssyncset.done $0x0  }
0x1c: {  	[sflag:s24] =	ssyncadd.s32 $0xFFFFFFFF  }
0x1d: {  	s4 =	sld [smem:$0x0]  }
0x1e: {  	s5 =	sand.u32 $0xFFFFFFFE, s1  }
0x1f: {  	p0 =	sne.s32 s1, s5  }
0x20: {  	s5 =	sshll.u32 @p0 s5, $0xE  }
0x21: {  	s5 =	sadd.s32 @p0 $0x11B8D, s5;
	s6 =	sshll.u32 @p0 s4, $0x11  }
0x22: {  	s5 =	sor.u32 @p0 s6, s5  }
0x23: {  	[sflag:s5] =	ssyncadd.remote.s32 @p0 $0x1;
	_ =	sdelay $0x1  }
0x24: {  	s5 =	simm.s32 @p0 $0x1B8D  }
0x25: {  	_ =	swait.eq @p0 [sflag:s5], $0x1  }
0x26: {  	[sflag:s5] =	ssyncadd.s32 @p0 $0xFFFFFFFF  }
0x27: {  	s6 =	sshll.u32 @!p0 s1, $0xE  }
0x28: {  	s6 =	sor.u32 @!p0 $0x4000, s6;
	s5 =	simm.s32 @!p0 $0x1B8D  }
0x29: {  	s4 =	sshll.u32 @!p0 s4, $0x11;
	s6 =	sadd.s32 @!p0 $0x11B8D, s6;
	_ =	swait.eq @!p0 [sflag:s5], $0x1  }
0x2a: {  	s4 =	sor.u32 @!p0 s4, s6;
	[sflag:s5] =	ssyncadd.s32 @!p0 $0xFFFFFFFF  }
0x2b: {  	s26 =	simm.s32 $0x1B8E;
	s25 =	sld [smem:$0x3FFE];
	[sflag:s4] =	ssyncadd.remote.s32 @!p0 $0x1  }
0x2c: {  	s27 =	simm.s32 $execute0_lowered;
	[smem:$0x3FD2] =	sst s26  }
0x2d: {  	s5 =	sshll.u32 s27, $0x1;
	_ =	strace $0x80000049;
	[dreg:$0x1] =	wrdreg $0xFFFFFFFF  }
0x2e: {  	s28 =	simm.s32 $_size_execute0_lowered;
	s3 =	sadd.s32 s3, s5;
	[dreg:$0x0] =	wrdreg $0x0  }
0x2f: {  	s5 =	sshll.u32 s28, $0x1;
	[dreg:$0x2] =	wrdreg s3  }
0x30: {  	[dreg:$0x3] =	wrdreg s5  }
0x31: {  	[dreg:$0x4] =	wrdreg $0xC0  }
0x32: {  	_ =	task [dreg:s23], $0x5FFFF  }
0x33: {  	[dreg:$0x1] =	wrdreg $0xFFFFFFFF  }
0x34: {  	[dreg:$0x0] =	wrdreg $0x60  }
0x35: {  	[dreg:$0x2] =	wrdreg s25  }
0x36: {  	[dreg:$0x3] =	wrdreg $0xA  }
0x37: {  	_ =	task.clear_ibuf [dreg:s23], $0x4FFFF;
	_ =	strace $0x90000049  }
0x38: {  	s29 =	simm.s32 $0xA;
	_ =	strace $0x8000004B  }
0x39: {  	_ =	swait.ge [sflag:s29], $0x1  }
0x3a: {  	[sflag:s29] =	ssyncadd.s32 $0xFFFFFFFF  }
0x3b: {  	_ =	strace $0x9000004B  }
0x3c: {  	_ =	sfence  }
0x3d: {  	s30 =	sld [smem:$0x0];
	_ =	sdelay $0x2  }
0x3e: {  	s31 =	sshll.u32 s1, $0xD;
	s1 =	sshrl.u32 s1, $0x2  }
0x3f: {  	s4 =	sand.u32 $0x4000, s31;
	s1 =	sadd.s32 s1, s30  }
0x40: {  	s0 =	sor.u32 s4, s0;
	s1 =	sshll.u32 s1, $0x11  }
0x41: {  	s0 =	sor.u32 s1, s0  }
0x42: {  	s0 =	sadd.s32 $0x8F2B, s0  }
0x43: {  	[sflag:s0] =	ssyncadd.remote.s32 $0x1  }
0x44: {  	_ =	sfence.sel $0xFFFF  }
0x45: {  	[dreg:$0x0] =	wrdreg $0xFFFFFFFF;
	(pc) =	sbr.abs _section_cstart, $3  }
0x46: {  	[dreg:$0x1] =	wrdreg $0xFFFFFFFF  }
0x47: {  	_ =	task.clear_ibuf [dreg:s23], $0x2FFFF;
	_ =	strace $0x9FFFFFFF  }
0x48: {  	(tm) =	ssettm $0x7FFFFFFF  }
0x49: {  	_ =	shalt  }
tec
execute0_lowered:
.L_overlay_start_1:
0x0: {  	(tag) =	ssettag $0x1  }
0x1: {  	s0 =	srdreg.scid  }
0x2: {  	s6 =	rddreg [dreg:$0x0];
	s7 =	simm.s32 $0x1;
	s1 =	sshll.u32 s0, $0x4  }
0x3: {  	s8 =	simm.s32 $0x2;
	s0 =	stileid.u32;
	s1 =	sand.u32 $0x10, s1  }
0x4: {  	s9 =	simm.s32 $0x0;
	s13 =	simm.s32 $0x0;
	s1 =	sor.u32 s0, s1  }
0x5: {  	s14 =	simm.s32 $0x0;
	s11 =	simm.s32 $0x0;
	s2 =	sshll.u32 s1, $0x4  }
0x6: {  	s12 =	simm.s32 $0x0;
	s3 =	sadd.s32 $0x27C800, s6;
	s5 =	ssub.s32 $0x2710, s2  }
.Ltmp0:
0x7: {  	s6 =	sadd.s32 $0x3B5000, s6;
	s4 =	sand.u32 $0x1F0, s5;
	(pc) =	sbr.rel .LBB1_1-.Ltmp0, $4  }
0x8: {  	s1 =	rddreg [dreg:$0x1];
	_ =	strace $0x8000004A;
	p0 =	sne.s32 s4, $0x0  }
0x9: {  	s5 =	sshrl.u32 s5, $0x9;
	s4 =	simm.s32 $0x1;
	s7 =	simm.s32 @!p0 $0x0  }
0xa: {  	s10 =	smov.u32 s2;
	[sflag:s4] =	ssyncpa.u1 $0x0;
	s5 =	sadd.s32 s7, s5  }
0xb: {  	[sflag:s8] =	ssyncpa.u1 $0x0;
	s8 =	simm.s32 $0x0;
	s7 =	sadd.s32 $0x1, s5  }
.LBB1_7:
0xc: {  	s15 =	sadd.s32 $0x200, s10  }
0xd: {  	s13 =	sadd.s32 $0x8, s11;
	s17 =	smov.u32 s11;
	p1 =	sgt.s32 s15, $0x270F  }
0xe: {  	s17 =	smov.u32 @p1 s13  }
0xf: {  	s15 =	smov.u32 @p1 s2;
	p1 =	sgt.s32 s17, $0x7  }
0x10: {  	s17 =	simm.s32 @p1 $0x0;
	p1 =	sne.s32 s12, s7  }
.Ltmp1:
0x11: {  	p0 =	slt.u32 s12, $0x2;
	(pc) =	sbr.rel @!p1 .LBB1_8-.Ltmp1, $4  }
0x12: {  	s16 =	simm.s32 @!p0 $0x2  }
0x13: {  	s14 =	smov.u32 s11;
	s9 =	sadd.s32 $0x4000, s9;
	_ =	swait.ge @!p0 [sflag:s16], $0x4000  }
0x14: {  	s13 =	smov.u32 s10;
	[sflag:s16] =	ssyncset.done @!p0 $0x0;
	s10 =	smov.u32 s15  }
0x15: {  	s12 =	sadd.s32 $0x1, s12;
	[sflag:s16] =	ssyncadd.s32 @!p0 $0xFFFFC000;
	s11 =	smov.u32 s17  }
.LBB1_1:
0x16: {  	p0 =	sge.u32 s12, s5  }
0x17: {  	s15 =	sand.u32 @!p0 $0x1FFFFFF, s10  }
0x18: {  	s16 =	smulhi.u32 @!p0 $0x1A36E2F, s15;
	_ =	sdelay $0x1  }
0x19: {  	s16 =	sshrl.u32 @!p0 s16, $0x6  }
0x1a: {  	s16 =	smul.u32 @!p0 $0x2710, s16  }
0x1b: {  	s17 =	sxor.u32 @!p0 $0xFFFFFFFF, s12;
	s18 =	smul.u32 @!p0 $0x27100, s11  }
0x1c: {  	s31 =	sadd.s32 $0xFFFFFFFF, s12;
	s17 =	sshll.u32 @!p0 s17, $0xE;
	s15 =	ssub.s32 @!p0 s15, s16  }
0x1d: {  	s16 =	sand.u32 @!p0 $0x4000, s17;
	s17 =	sadd.s32 @!p0 s3, s18;
	s15 =	sshll.u32 @!p0 s15, $0x4  }
0x1e: {  	s18 =	simm.s32 @!p0 $0x138800;
	s15 =	sadd.s32 @!p0 s15, s17;
	s17 =	simm.s32 @!p0 $0x800  }
0x1f: {  	[tilespmem:s16], [sflag:$0x1] =	stream.strided.gather @!p0 [hbm4b:s15+s17], $0x4000, s18, s17, $0x38;
	[tilespmem:$0x10000] =	vst v63  }
0x20: {  	p0 =	sge.u32 s31, s5  }
.Ltmp2:
0x21: {  	_ = 	snop;
	(pc) =	sbr.rel @p0 .LBB1_7-.Ltmp2, $1  }
0x22: {  	_ =	sdelay $0x3  }
0x23: {  	s16 =	sand.u32 $0x4000, s9  }
0x24: {  	_ =	swait.ge [sflag:s4], $0x4000;
	s18 =	sshll.u32 s12, $0xE;
	s15 =	sor.u32 $0x8040, s16  }
0x25: {  	s17 =	sor.u32 $0x40, s16;
	[sflag:s4] =	ssyncset.done $0x0;
	s31 =	sand.u32 $0x4000, s18  }
0x26: {  	s18 =	simm.s32 $0x0;
	[sflag:s4] =	ssyncadd.s32 $0xFFFFC000;
	s16 =	sor.u32 $0x8000, s31  }
.LBB1_3:
0x27: {  	v0 =	vmov s17;
	_ =	sdelay $0x3  }
0x28: {  	s20 =	simm.s32 $0x0  }
0x29: {  	v6 =	vld.idx.msk [tilespmem:v0+s20+$0x30 ss:$0x1], $0xffff  }
0x2a: {  	v7 =	vld.idx.msk [tilespmem:v0+s20+$0xFFFFFFC0 ss:$0x1], $0xffff  }
0x2b: {  	v5 =	vld.idx.msk [tilespmem:v0+s20+$0xFFFFFFD0 ss:$0x1], $0xffff  }
0x2c: {  	v4 =	vld.idx.msk [tilespmem:v0+s20+$0xFFFFFFE0 ss:$0x1], $0xffff  }
0x2d: {  	v3 =	vld.idx.msk [tilespmem:v0+s20+$0xFFFFFFF0 ss:$0x1], $0xffff  }
0x2e: {  	v1 =	vld.idx.msk [tilespmem:v0+s20+$0x0 ss:$0x1], $0xffff  }
0x2f: {  	v2 =	vld.idx.msk [tilespmem:v0+s20+$0x10 ss:$0x1], $0xffff;
	[tilespmem:s15+$0x30] =	vst v6  }
0x30: {  	s19 =	simm.s32 $0x80;
	s21 =	simm.s32 $0x400;
	[tilespmem:s15+$0xFFFFFFC0] =	vst v7;
	v6 =	vld.idx.msk [tilespmem:v0+s20+$0x20 ss:$0x1], $0xffff;
	s20 =	smov.u32 s15  }
.LBB1_4:
0x31: {  	p0 =	sne.s32 s21, $0x1E00;
	v7 =	vld.idx.msk [tilespmem:v0+s19+$0x30 ss:$0x1], $0xffff;
	[tilespmem:s20+$0xFFFFFFD0] =	vst v5  }
0x32: {  	v8 =	vld.idx.msk [tilespmem:v0+s19+$0xFFFFFFC0 ss:$0x1], $0xffff;
	[tilespmem:s20+$0xFFFFFFE0] =	vst v4  }
0x33: {  	v5 =	vld.idx.msk [tilespmem:v0+s19+$0xFFFFFFD0 ss:$0x1], $0xffff;
	[tilespmem:s20+$0xFFFFFFF0] =	vst v3  }
.Ltmp3:
0x34: {  	v4 =	vld.idx.msk [tilespmem:v0+s19+$0xFFFFFFE0 ss:$0x1], $0xffff;
	[tilespmem:s20+$0x0] =	vst v1;
	(pc) =	sbr.rel @p0 .LBB1_4-.Ltmp3, $4  }
0x35: {  	v3 =	vld.idx.msk [tilespmem:v0+s19+$0xFFFFFFF0 ss:$0x1], $0xffff;
	[tilespmem:s20+$0x10] =	vst v2  }
0x36: {  	v1 =	vld.idx.msk [tilespmem:v0+s19+$0x0 ss:$0x1], $0xffff;
	[tilespmem:s20+$0x20] =	vst v6;
	s20 =	sadd.s32 $0x400, s20  }
0x37: {  	v2 =	vld.idx.msk [tilespmem:v0+s19+$0x10 ss:$0x1], $0xffff;
	[tilespmem:s20+$0x30] =	vst v7  }
0x38: {  	[tilespmem:s20+$0xFFFFFFC0] =	vst v8;
	v6 =	vld.idx.msk [tilespmem:v0+s19+$0x20 ss:$0x1], $0xffff;
	s19 =	sshra.s32 s21, $0x2;
	s21 =	sadd.s32 $0x200, s21  }
0x39: {  	_ =	sdelay $0x2  }
0x3a: {  	[tilespmem:s20+$0xFFFFFFD0] =	vst v5  }
0x3b: {  	v56 =	vld.idx.msk [tilespmem:v0+s19+$0x30 ss:$0x1], $0xffff;
	[tilespmem:s20+$0xFFFFFFE0] =	vst v4  }
0x3c: {  	v57 =	vld.idx.msk [tilespmem:v0+s19+$0xFFFFFFC0 ss:$0x1], $0xffff;
	[tilespmem:s20+$0xFFFFFFF0] =	vst v3  }
0x3d: {  	v58 =	vld.idx.msk [tilespmem:v0+s19+$0xFFFFFFD0 ss:$0x1], $0xffff;
	[tilespmem:s20+$0x0] =	vst v1  }
0x3e: {  	v59 =	vld.idx.msk [tilespmem:v0+s19+$0xFFFFFFE0 ss:$0x1], $0xffff;
	[tilespmem:s20+$0x10] =	vst v2  }
0x3f: {  	v60 =	vld.idx.msk [tilespmem:v0+s19+$0xFFFFFFF0 ss:$0x1], $0xffff;
	s31 =	sadd.s32 $0x400, s20;
	[tilespmem:s20+$0x20] =	vst v6  }
0x40: {  	v61 =	vld.idx.msk [tilespmem:v0+s19+$0x0 ss:$0x1], $0xffff;
	[tilespmem:s31+$0x30] =	vst v56  }
0x41: {  	v62 =	vld.idx.msk [tilespmem:v0+s19+$0x10 ss:$0x1], $0xffff;
	s18 =	sadd.s32 $0x1, s18;
	[tilespmem:s31+$0xFFFFFFC0] =	vst v57  }
0x42: {  	v63 =	vld.idx.msk [tilespmem:v0+s19+$0x20 ss:$0x1], $0xffff;
	p0 =	sne.s32 s18, $0x8;
	[tilespmem:s31+$0xFFFFFFD0] =	vst v58  }
.Ltmp4:
0x43: {  	[tilespmem:s31+$0xFFFFFFE0] =	vst v59;
	(pc) =	sbr.rel @p0 .LBB1_3-.Ltmp4, $4  }
0x44: {  	[tilespmem:s31+$0xFFFFFFF0] =	vst v60  }
0x45: {  	[tilespmem:s31+$0x0] =	vst v61  }
0x46: {  	[tilespmem:s31+$0x10] =	vst v62  }
0x47: {  	s15 =	sadd.s32 $0x80, s15;
	s17 =	sadd.s32 $0x800, s17;
	[tilespmem:s31+$0x20] =	vst v63  }
.Ltmp5:
0x48: {  	s14 =	sshll.u32 s14, $0x4;
	(pc) =	sbr.rel .LBB1_7-.Ltmp5, $4  }
0x49: {  	s14 =	sand.u32 $0x70, s14  }
0x4a: {  	s13 =	sshll.u32 s13, $0x7;
	s14 =	sadd.s32 s6, s14  }
0x4b: {  	s13 =	sadd.s32 s13, s14  }
0x4c: {  	[hbm4b:s13+s8] =	stream.linear.scatter [tilespmem:s16], [sflag:$0x2], $0x4000, $0x38;
	[tilespmem:$0x10000] =	vst v63  }
.LBB1_8:
0x4d: {  	_ =	sfence.sel $0x180000  }
0x4e: {  	s2 =	simm.s32 $0x1;
	[bflag:$0x0] =	sbarrier.arrive $0xFFFF  }
0x4f: {  	s31 =	simm.s32 $0x2;
	[sflag:s2] =	ssyncpa.u1 $0x1  }
0x50: {  	[sflag:s31] =	ssyncpa.u1 $0x1  }
0x51: {  	p0 =	sne.s32 s0, $0x0;
	_ =	strace $0x9000004A  }
0x52: {  	s0 =	sadd.s32 @!p0 $0x100000, s1;
	[bflag:$0x2] =	sbarrier.arrive $0xFFFF  }
0x53: {  	[sflag:s0] =	ssyncadd.tile.s32 @!p0 $0x1;
	_ =	shalt  }
.Lfunc_end1:
_tile_overlayer_lowered:
.L_overlay_start_2:
0x54: {  	(tag) =	ssettag $0x2  }
0x55: {  	s0 =	rddreg [dreg:$0x0];
	s2 =	stileid.u32  }
0x56: {  	s1 =	rddreg [dreg:$0x1];
	p0 =	sne.s32 s2, $0x0  }
0x57: {  	s3 =	rddreg [dreg:$0x2];
	[bflag:$0x3] =	sbarrier.arrive $0xFFFF;
	s2 =	simm.s32 @!p0 $0x1C01  }
0x58: {  	[timem:s3], [sflag:s2] =	dma.local @!p0 [hbm:s0], s1  }
0x59: {  	s0 =	simm.s32 @!p0 $0x1  }
0x5a: {  	_ =	swait.ge @!p0 [sflag:s0], s1  }
0x5b: {  	s1 =	ssub.s32 @!p0 $0x0, s1;
	[sflag:s0] =	ssyncset.done @!p0 $0x0  }
0x5c: {  	[sflag:s0] =	ssyncadd.s32 @!p0 s1  }
0x5d: {  	[bflag:$0x3] =	sbarrier.arrive $0xFFFF  }
0x5e: {  	_ =	shalt  }

// kernel: sparse-core-data-format-call.cloned.1.call-start
scs
called_computation_lowered:
.L_overlay_start_0:
0x0: {  	s2 =	sld [smem:$0x3FD9]  }
0x1: {  	s3 =	sld [smem:$0x3FFE];
	_ =	sdelay $0x1  }
0x2: {  	s1 =	srdreg.scid  }
0x3: {  	s0 =	sand.u32 $0x1, s1  }
0x4: {  	s18 =	sshll.u32 s0, $0xA;
	s2 =	sadd.s32 s3, s2  }
0x5: {  	s2 =	sadd.s32 s2, s18  }
0x6: {  	[smem:$0x3FB4] =	sst s2  }
0x7: {  	_ = 	snop  }
0x8: {  	(tm) =	ssettm $0x1  }
0x9: {  	s19 =	sld [smem:$0x3FFB];
	_ =	sdelay $0x3  }
0xa: {  	_ =	strace s19  }
0xb: {  	s2 =	sld [smem:$0x3FFC];
	_ =	sdelay $0x3  }
0xc: {  	_ =	strace s2  }
0xd: {  	s2 =	sld [smem:$0x3FFD];
	_ =	sdelay $0x3  }
0xe: {  	_ =	strace s2  }
0xf: {  	_ =	strace $0x8FFFFFFF  }
0x10: {  	s20 =	sld [smem:$0x3FDB];
	_ =	sdelay $0x1  }
0x11: {  	s21 =	simm.s32 $_scs_section_size  }
0x12: {  	s4 =	simm.s32 $_size__tile_overlayer_lowered;
	s5 =	simm.s32 $_tile_overlayer_lowered  }
0x13: {  	s6 =	simm.s32 $0x1BFF;
	s22 =	sshll.u32 s5, $0x1;
	s3 =	sadd.s32 s21, s20  }
0x14: {  	s23 =	simm.s32 $0x0;
	s4 =	sshll.u32 s4, $0x1;
	s5 =	sadd.s32 s22, s3  }
0x15: {  	[timem:s23], [sflag:s6] =	dma.local [hbm:s5], s4  }
0x16: {  	_ =	swait.ge [sflag:s6], s4  }
0x17: {  	s4 =	ssub.s32 $0x0, s4;
	[sflag:s6] =	ssyncset.done $0x0  }
0x18: {  	[sflag:s6] =	ssyncadd.s32 s4;
	_ =	sdelay $0x1  }
0x19: {  	s24 =	simm.s32 $0x1B8B  }
0x1a: {  	_ =	swait.ge [sflag:s24], $0x1  }
0x1b: {  	[sflag:s24] =	ssyncset.done $0x0  }
0x1c: {  	[sflag:s24] =	ssyncadd.s32 $0xFFFFFFFF  }
0x1d: {  	s4 =	sld [smem:$0x0]  }
0x1e: {  	s5 =	sand.u32 $0xFFFFFFFE, s1  }
0x1f: {  	p0 =	sne.s32 s1, s5  }
0x20: {  	s5 =	sshll.u32 @p0 s5, $0xE  }
0x21: {  	s5 =	sadd.s32 @p0 $0x11B8D, s5;
	s6 =	sshll.u32 @p0 s4, $0x11  }
0x22: {  	s5 =	sor.u32 @p0 s6, s5  }
0x23: {  	[sflag:s5] =	ssyncadd.remote.s32 @p0 $0x1;
	_ =	sdelay $0x1  }
0x24: {  	s5 =	simm.s32 @p0 $0x1B8D  }
0x25: {  	_ =	swait.eq @p0 [sflag:s5], $0x1  }
0x26: {  	[sflag:s5] =	ssyncadd.s32 @p0 $0xFFFFFFFF  }
0x27: {  	s6 =	sshll.u32 @!p0 s1, $0xE  }
0x28: {  	s6 =	sor.u32 @!p0 $0x4000, s6;
	s5 =	simm.s32 @!p0 $0x1B8D  }
0x29: {  	s4 =	sshll.u32 @!p0 s4, $0x11;
	s6 =	sadd.s32 @!p0 $0x11B8D, s6;
	_ =	swait.eq @!p0 [sflag:s5], $0x1  }
0x2a: {  	s4 =	sor.u32 @!p0 s4, s6;
	[sflag:s5] =	ssyncadd.s32 @!p0 $0xFFFFFFFF  }
0x2b: {  	s26 =	simm.s32 $0x1B8E;
	s25 =	sld [smem:$0x3FFE];
	[sflag:s4] =	ssyncadd.remote.s32 @!p0 $0x1  }
0x2c: {  	s27 =	simm.s32 $execute0_lowered;
	[smem:$0x3FD2] =	sst s26  }
0x2d: {  	s5 =	sshll.u32 s27, $0x1;
	_ =	strace $0x8000004C;
	[dreg:$0x1] =	wrdreg $0xFFFFFFFF  }
0x2e: {  	s28 =	simm.s32 $_size_execute0_lowered;
	s3 =	sadd.s32 s3, s5;
	[dreg:$0x0] =	wrdreg $0x0  }
0x2f: {  	s5 =	sshll.u32 s28, $0x1;
	[dreg:$0x2] =	wrdreg s3  }
0x30: {  	[dreg:$0x3] =	wrdreg s5  }
0x31: {  	[dreg:$0x4] =	wrdreg $0xC0  }
0x32: {  	_ =	task [dreg:s23], $0x5FFFF  }
0x33: {  	[dreg:$0x1] =	wrdreg $0xFFFFFFFF  }
0x34: {  	[dreg:$0x0] =	wrdreg $0x60  }
0x35: {  	[dreg:$0x2] =	wrdreg s25  }
0x36: {  	[dreg:$0x3] =	wrdreg $0x9  }
0x37: {  	_ =	task.clear_ibuf [dreg:s23], $0x4FFFF;
	_ =	strace $0x9000004C  }
0x38: {  	s29 =	simm.s32 $0x9;
	_ =	strace $0x8000004E  }
0x39: {  	_ =	swait.ge [sflag:s29], $0x1  }
0x3a: {  	[sflag:s29] =	ssyncadd.s32 $0xFFFFFFFF  }
0x3b: {  	_ =	strace $0x9000004E  }
0x3c: {  	_ =	sfence  }
0x3d: {  	s30 =	sld [smem:$0x0];
	_ =	sdelay $0x2  }
0x3e: {  	s31 =	sshll.u32 s1, $0xD;
	s1 =	sshrl.u32 s1, $0x2  }
0x3f: {  	s4 =	sand.u32 $0x4000, s31;
	s1 =	sadd.s32 s1, s30  }
0x40: {  	s0 =	sor.u32 s4, s0;
	s1 =	sshll.u32 s1, $0x11  }
0x41: {  	s0 =	sor.u32 s1, s0  }
0x42: {  	s0 =	sadd.s32 $0x8F2B, s0  }
0x43: {  	[sflag:s0] =	ssyncadd.remote.s32 $0x1  }
0x44: {  	_ =	sfence.sel $0xFFFF  }
0x45: {  	[dreg:$0x0] =	wrdreg $0xFFFFFFFF;
	(pc) =	sbr.abs _section_cstart, $3  }
0x46: {  	[dreg:$0x1] =	wrdreg $0xFFFFFFFF  }
0x47: {  	_ =	task.clear_ibuf [dreg:s23], $0x2FFFF;
	_ =	strace $0x9FFFFFFF  }
0x48: {  	(tm) =	ssettm $0x7FFFFFFF  }
0x49: {  	_ =	shalt  }
tec
execute0_lowered:
.L_overlay_start_1:
0x0: {  	(tag) =	ssettag $0x1  }
0x1: {  	s0 =	srdreg.scid  }
0x2: {  	s6 =	rddreg [dreg:$0x0];
	s7 =	simm.s32 $0x1;
	s1 =	sshll.u32 s0, $0x4  }
0x3: {  	s8 =	simm.s32 $0x2;
	s0 =	stileid.u32;
	s1 =	sand.u32 $0x10, s1  }
0x4: {  	s9 =	simm.s32 $0x0;
	s13 =	simm.s32 $0x0;
	s1 =	sor.u32 s0, s1  }
0x5: {  	s14 =	simm.s32 $0x0;
	s11 =	simm.s32 $0x0;
	s2 =	sshll.u32 s1, $0x4  }
0x6: {  	s12 =	simm.s32 $0x0;
	s3 =	sadd.s32 $0xB600, s6;
	s5 =	ssub.s32 $0x2710, s2  }
.Ltmp0:
0x7: {  	s6 =	sadd.s32 $0x143E00, s6;
	s4 =	sand.u32 $0x1F0, s5;
	(pc) =	sbr.rel .LBB1_1-.Ltmp0, $4  }
0x8: {  	s1 =	rddreg [dreg:$0x1];
	_ =	strace $0x8000004D;
	p0 =	sne.s32 s4, $0x0  }
0x9: {  	s5 =	sshrl.u32 s5, $0x9;
	s4 =	simm.s32 $0x1;
	s7 =	simm.s32 @!p0 $0x0  }
0xa: {  	s10 =	smov.u32 s2;
	[sflag:s4] =	ssyncpa.u1 $0x0;
	s5 =	sadd.s32 s7, s5  }
0xb: {  	[sflag:s8] =	ssyncpa.u1 $0x0;
	s8 =	simm.s32 $0x0;
	s7 =	sadd.s32 $0x1, s5  }
.LBB1_7:
0xc: {  	s15 =	sadd.s32 $0x200, s10  }
0xd: {  	s13 =	sadd.s32 $0x8, s11;
	s17 =	smov.u32 s11;
	p1 =	sgt.s32 s15, $0x270F  }
0xe: {  	s17 =	smov.u32 @p1 s13  }
0xf: {  	s15 =	smov.u32 @p1 s2;
	p1 =	sgt.s32 s17, $0x7  }
0x10: {  	s17 =	simm.s32 @p1 $0x0;
	p1 =	sne.s32 s12, s7  }
.Ltmp1:
0x11: {  	p0 =	slt.u32 s12, $0x2;
	(pc) =	sbr.rel @!p1 .LBB1_8-.Ltmp1, $4  }
0x12: {  	s16 =	simm.s32 @!p0 $0x2  }
0x13: {  	s14 =	smov.u32 s11;
	s9 =	sadd.s32 $0x4000, s9;
	_ =	swait.ge @!p0 [sflag:s16], $0x4000  }
0x14: {  	s13 =	smov.u32 s10;
	[sflag:s16] =	ssyncset.done @!p0 $0x0;
	s10 =	smov.u32 s15  }
0x15: {  	s12 =	sadd.s32 $0x1, s12;
	[sflag:s16] =	ssyncadd.s32 @!p0 $0xFFFFC000;
	s11 =	smov.u32 s17  }
.LBB1_1:
0x16: {  	p0 =	sge.u32 s12, s5  }
0x17: {  	s15 =	sand.u32 @!p0 $0x1FFFFFF, s10  }
0x18: {  	s16 =	smulhi.u32 @!p0 $0x1A36E2F, s15;
	_ =	sdelay $0x1  }
0x19: {  	s16 =	sshrl.u32 @!p0 s16, $0x6  }
0x1a: {  	s16 =	smul.u32 @!p0 $0x2710, s16  }
0x1b: {  	s17 =	sxor.u32 @!p0 $0xFFFFFFFF, s12;
	s18 =	smul.u32 @!p0 $0x27100, s11  }
0x1c: {  	s31 =	sadd.s32 $0xFFFFFFFF, s12;
	s17 =	sshll.u32 @!p0 s17, $0xE;
	s15 =	ssub.s32 @!p0 s15, s16  }
0x1d: {  	s16 =	sand.u32 @!p0 $0x4000, s17;
	s17 =	sadd.s32 @!p0 s3, s18;
	s15 =	sshll.u32 @!p0 s15, $0x4  }
0x1e: {  	s18 =	simm.s32 @!p0 $0x138800;
	s15 =	sadd.s32 @!p0 s15, s17;
	s17 =	simm.s32 @!p0 $0x800  }
0x1f: {  	[tilespmem:s16], [sflag:$0x1] =	stream.strided.gather @!p0 [hbm4b:s15+s17], $0x4000, s18, s17, $0x38;
	[tilespmem:$0x10000] =	vst v63  }
0x20: {  	p0 =	sge.u32 s31, s5  }
.Ltmp2:
0x21: {  	_ = 	snop;
	(pc) =	sbr.rel @p0 .LBB1_7-.Ltmp2, $1  }
0x22: {  	_ =	sdelay $0x3  }
0x23: {  	s16 =	sand.u32 $0x4000, s9  }
0x24: {  	_ =	swait.ge [sflag:s4], $0x4000;
	s18 =	sshll.u32 s12, $0xE;
	s15 =	sor.u32 $0x8040, s16  }
0x25: {  	s17 =	sor.u32 $0x40, s16;
	[sflag:s4] =	ssyncset.done $0x0;
	s31 =	sand.u32 $0x4000, s18  }
0x26: {  	s18 =	simm.s32 $0x0;
	[sflag:s4] =	ssyncadd.s32 $0xFFFFC000;
	s16 =	sor.u32 $0x8000, s31  }
.LBB1_3:
0x27: {  	v0 =	vmov s17;
	_ =	sdelay $0x3  }
0x28: {  	s20 =	simm.s32 $0x0  }
0x29: {  	v6 =	vld.idx.msk [tilespmem:v0+s20+$0x30 ss:$0x1], $0xffff  }
0x2a: {  	v7 =	vld.idx.msk [tilespmem:v0+s20+$0xFFFFFFC0 ss:$0x1], $0xffff  }
0x2b: {  	v5 =	vld.idx.msk [tilespmem:v0+s20+$0xFFFFFFD0 ss:$0x1], $0xffff  }
0x2c: {  	v4 =	vld.idx.msk [tilespmem:v0+s20+$0xFFFFFFE0 ss:$0x1], $0xffff  }
0x2d: {  	v3 =	vld.idx.msk [tilespmem:v0+s20+$0xFFFFFFF0 ss:$0x1], $0xffff  }
0x2e: {  	v1 =	vld.idx.msk [tilespmem:v0+s20+$0x0 ss:$0x1], $0xffff  }
0x2f: {  	v2 =	vld.idx.msk [tilespmem:v0+s20+$0x10 ss:$0x1], $0xffff;
	[tilespmem:s15+$0x30] =	vst v6  }
0x30: {  	s19 =	simm.s32 $0x80;
	s21 =	simm.s32 $0x400;
	[tilespmem:s15+$0xFFFFFFC0] =	vst v7;
	v6 =	vld.idx.msk [tilespmem:v0+s20+$0x20 ss:$0x1], $0xffff;
	s20 =	smov.u32 s15  }
.LBB1_4:
0x31: {  	p0 =	sne.s32 s21, $0x1E00;
	v7 =	vld.idx.msk [tilespmem:v0+s19+$0x30 ss:$0x1], $0xffff;
	[tilespmem:s20+$0xFFFFFFD0] =	vst v5  }
0x32: {  	v8 =	vld.idx.msk [tilespmem:v0+s19+$0xFFFFFFC0 ss:$0x1], $0xffff;
	[tilespmem:s20+$0xFFFFFFE0] =	vst v4  }
0x33: {  	v5 =	vld.idx.msk [tilespmem:v0+s19+$0xFFFFFFD0 ss:$0x1], $0xffff;
	[tilespmem:s20+$0xFFFFFFF0] =	vst v3  }
.Ltmp3:
0x34: {  	v4 =	vld.idx.msk [tilespmem:v0+s19+$0xFFFFFFE0 ss:$0x1], $0xffff;
	[tilespmem:s20+$0x0] =	vst v1;
	(pc) =	sbr.rel @p0 .LBB1_4-.Ltmp3, $4  }
0x35: {  	v3 =	vld.idx.msk [tilespmem:v0+s19+$0xFFFFFFF0 ss:$0x1], $0xffff;
	[tilespmem:s20+$0x10] =	vst v2  }
0x36: {  	v1 =	vld.idx.msk [tilespmem:v0+s19+$0x0 ss:$0x1], $0xffff;
	[tilespmem:s20+$0x20] =	vst v6;
	s20 =	sadd.s32 $0x400, s20  }
0x37: {  	v2 =	vld.idx.msk [tilespmem:v0+s19+$0x10 ss:$0x1], $0xffff;
	[tilespmem:s20+$0x30] =	vst v7  }
0x38: {  	[tilespmem:s20+$0xFFFFFFC0] =	vst v8;
	v6 =	vld.idx.msk [tilespmem:v0+s19+$0x20 ss:$0x1], $0xffff;
	s19 =	sshra.s32 s21, $0x2;
	s21 =	sadd.s32 $0x200, s21  }
0x39: {  	_ =	sdelay $0x2  }
0x3a: {  	[tilespmem:s20+$0xFFFFFFD0] =	vst v5  }
0x3b: {  	v56 =	vld.idx.msk [tilespmem:v0+s19+$0x30 ss:$0x1], $0xffff;
	[tilespmem:s20+$0xFFFFFFE0] =	vst v4  }
0x3c: {  	v57 =	vld.idx.msk [tilespmem:v0+s19+$0xFFFFFFC0 ss:$0x1], $0xffff;
	[tilespmem:s20+$0xFFFFFFF0] =	vst v3  }
0x3d: {  	v58 =	vld.idx.msk [tilespmem:v0+s19+$0xFFFFFFD0 ss:$0x1], $0xffff;
	[tilespmem:s20+$0x0] =	vst v1  }
0x3e: {  	v59 =	vld.idx.msk [tilespmem:v0+s19+$0xFFFFFFE0 ss:$0x1], $0xffff;
	[tilespmem:s20+$0x10] =	vst v2  }
0x3f: {  	v60 =	vld.idx.msk [tilespmem:v0+s19+$0xFFFFFFF0 ss:$0x1], $0xffff;
	s31 =	sadd.s32 $0x400, s20;
	[tilespmem:s20+$0x20] =	vst v6  }
0x40: {  	v61 =	vld.idx.msk [tilespmem:v0+s19+$0x0 ss:$0x1], $0xffff;
	[tilespmem:s31+$0x30] =	vst v56  }
0x41: {  	v62 =	vld.idx.msk [tilespmem:v0+s19+$0x10 ss:$0x1], $0xffff;
	s18 =	sadd.s32 $0x1, s18;
	[tilespmem:s31+$0xFFFFFFC0] =	vst v57  }
0x42: {  	v63 =	vld.idx.msk [tilespmem:v0+s19+$0x20 ss:$0x1], $0xffff;
	p0 =	sne.s32 s18, $0x8;
	[tilespmem:s31+$0xFFFFFFD0] =	vst v58  }
.Ltmp4:
0x43: {  	[tilespmem:s31+$0xFFFFFFE0] =	vst v59;
	(pc) =	sbr.rel @p0 .LBB1_3-.Ltmp4, $4  }
0x44: {  	[tilespmem:s31+$0xFFFFFFF0] =	vst v60  }
0x45: {  	[tilespmem:s31+$0x0] =	vst v61  }
0x46: {  	[tilespmem:s31+$0x10] =	vst v62  }
0x47: {  	s15 =	sadd.s32 $0x80, s15;
	s17 =	sadd.s32 $0x800, s17;
	[tilespmem:s31+$0x20] =	vst v63  }
.Ltmp5:
0x48: {  	s14 =	sshll.u32 s14, $0x4;
	(pc) =	sbr.rel .LBB1_7-.Ltmp5, $4  }
0x49: {  	s14 =	sand.u32 $0x70, s14  }
0x4a: {  	s13 =	sshll.u32 s13, $0x7;
	s14 =	sadd.s32 s6, s14  }
0x4b: {  	s13 =	sadd.s32 s13, s14  }
0x4c: {  	[hbm4b:s13+s8] =	stream.linear.scatter [tilespmem:s16], [sflag:$0x2], $0x4000, $0x38;
	[tilespmem:$0x10000] =	vst v63  }
.LBB1_8:
0x4d: {  	_ =	sfence.sel $0x180000  }
0x4e: {  	s2 =	simm.s32 $0x1;
	[bflag:$0x0] =	sbarrier.arrive $0xFFFF  }
0x4f: {  	s31 =	simm.s32 $0x2;
	[sflag:s2] =	ssyncpa.u1 $0x1  }
0x50: {  	[sflag:s31] =	ssyncpa.u1 $0x1  }
0x51: {  	p0 =	sne.s32 s0, $0x0;
	_ =	strace $0x9000004D  }
0x52: {  	s0 =	sadd.s32 @!p0 $0x100000, s1;
	[bflag:$0x2] =	sbarrier.arrive $0xFFFF  }
0x53: {  	[sflag:s0] =	ssyncadd.tile.s32 @!p0 $0x1;
	_ =	shalt  }
.Lfunc_end1:
_tile_overlayer_lowered:
.L_overlay_start_2:
0x54: {  	(tag) =	ssettag $0x2  }
0x55: {  	s0 =	rddreg [dreg:$0x0];
	s2 =	stileid.u32  }
0x56: {  	s1 =	rddreg [dreg:$0x1];
	p0 =	sne.s32 s2, $0x0  }
0x57: {  	s3 =	rddreg [dreg:$0x2];
	[bflag:$0x3] =	sbarrier.arrive $0xFFFF;
	s2 =	simm.s32 @!p0 $0x1C01  }
0x58: {  	[timem:s3], [sflag:s2] =	dma.local @!p0 [hbm:s0], s1  }
0x59: {  	s0 =	simm.s32 @!p0 $0x1  }
0x5a: {  	_ =	swait.ge @!p0 [sflag:s0], s1  }
0x5b: {  	s1 =	ssub.s32 @!p0 $0x0, s1;
	[sflag:s0] =	ssyncset.done @!p0 $0x0  }
0x5c: {  	[sflag:s0] =	ssyncadd.s32 @!p0 s1  }
0x5d: {  	[bflag:$0x3] =	sbarrier.arrive $0xFFFF  }
0x5e: {  	_ =	shalt  }

</sc_bundles>
